<compile_context>
chip_gen: v7x
topology: tpu7x:2x2x1
jax: 0.10.2.dev20260603
libtpu: 0.0.44.dev20260713+nightly
codegen_flags: <defaults>
</compile_context>

<pallas_src>
import jax
import jax.numpy as jnp
from jax import lax
from jax.experimental import pallas as pl
from jax.experimental.pallas import tpu as pltpu
from jax.experimental.pallas import tpu_sc as plsc

N = 10000
E = 320000
DF = 128
DH = 16
DO = 2
DP = 8

NC = 2
NS = 16
CH = 128
NCH = -(-E // (NC * NS * CH))
NCH += NCH % 2
EP = NC * NS * NCH * CH
NROWS = 10240
RPT = NROWS // NS

_sc_mesh = plsc.VectorSubcoreMesh(core_axis_name="c", subcore_axis_name="s")
_sc_params = pltpu.CompilerParams(use_tc_tiling_on_sc=False)


def _deg_body(idx_hbm, zeros_hbm, out_hbm, acc, idxb, ones_v, sem):
    c = lax.axis_index("c")
    s = lax.axis_index("s")
    for i in range(CH // 16):
        ones_v[pl.ds(i * 16, 16)] = jnp.full((16,), 1.0, jnp.float32)
    pltpu.async_copy(idx_hbm.at[c, s], idxb, sem)
    pltpu.sync_copy(zeros_hbm.at[pl.ds(s * RPT, RPT)],
                    acc.at[pl.ds(s * RPT, RPT)])
    pltpu.make_async_copy(idx_hbm.at[c, s], idxb, sem).wait()
    plsc.subcore_barrier()

    def chunk(j, carry):
        pltpu.sync_copy(ones_v, acc.at[idxb.at[2 * j + 1]], add=True)
        return carry

    lax.fori_loop(0, NCH, chunk, 0)
    plsc.subcore_barrier()
    pltpu.sync_copy(acc.at[pl.ds(s * RPT, RPT)],
                    out_hbm.at[c].at[pl.ds(s * RPT, RPT)])


_deg_call = pl.kernel(
    _deg_body,
    out_type=jax.ShapeDtypeStruct((NC, NROWS), jnp.float32),
    mesh=_sc_mesh,
    scratch_types=[
        pltpu.VMEM_SHARED((NROWS,), jnp.float32),
        pltpu.VMEM((2 * NCH, CH), jnp.int32),
        pltpu.VMEM((CH,), jnp.float32),
        pltpu.SemaphoreType.DMA,
    ],
    compiler_params=_sc_params,
)


def _make_agg_call(width):
    def body(idx_hbm, table_hbm, zeros_hbm, out_hbm,
             acc, idxb, rows0, rows1, sem_g0, sem_g1):
        c = lax.axis_index("c")
        s = lax.axis_index("s")
        pltpu.async_copy(idx_hbm.at[c, s], idxb, sem_g0)
        pltpu.sync_copy(zeros_hbm.at[pl.ds(s * RPT, RPT)],
                        acc.at[pl.ds(s * RPT, RPT)])
        pltpu.make_async_copy(idx_hbm.at[c, s], idxb, sem_g0).wait()
        plsc.subcore_barrier()

        pltpu.async_copy(table_hbm.at[idxb.at[0]], rows0, sem_g0)

        def pair(jj, carry):
            j2 = 4 * jj
            pltpu.async_copy(table_hbm.at[idxb.at[j2 + 2]], rows1, sem_g1)
            pltpu.make_async_copy(table_hbm.at[idxb.at[0]], rows0,
                                  sem_g0).wait()
            pltpu.sync_copy(rows0, acc.at[idxb.at[j2 + 1]], add=True)
            jn = jnp.minimum(j2 + 4, 2 * NCH - 2)
            pltpu.async_copy(table_hbm.at[idxb.at[jn]], rows0, sem_g0)
            pltpu.make_async_copy(table_hbm.at[idxb.at[0]], rows1,
                                  sem_g1).wait()
            pltpu.sync_copy(rows1, acc.at[idxb.at[j2 + 3]], add=True)
            return carry

        lax.fori_loop(0, NCH // 2, pair, 0)
        pltpu.make_async_copy(table_hbm.at[idxb.at[0]], rows0, sem_g0).wait()
        plsc.subcore_barrier()
        pltpu.sync_copy(acc.at[pl.ds(s * RPT, RPT)],
                        out_hbm.at[c].at[pl.ds(s * RPT, RPT)])

    return pl.kernel(
        body,
        out_type=jax.ShapeDtypeStruct((NC, NROWS, width), jnp.float32),
        mesh=_sc_mesh,
        scratch_types=[
            pltpu.VMEM_SHARED((NROWS, width), jnp.float32),
            pltpu.VMEM((2 * NCH, CH), jnp.int32),
            pltpu.VMEM((CH, width), jnp.float32),
            pltpu.VMEM((CH, width), jnp.float32),
            pltpu.SemaphoreType.DMA,
            pltpu.SemaphoreType.DMA,
        ],
        compiler_params=_sc_params,
    )


_agg_call = _make_agg_call(DH)
_agg2_call = _make_agg_call(DP)


def _tc_b_body(x_ref, w1_ref, degp_ref, hs1_ref, dis_ref):
    h = jnp.dot(x_ref[...], w1_ref[...], preferred_element_type=jnp.float32)
    deg = degp_ref[:, 0:1] + degp_ref[:, 1:2] + 1.0
    dis = lax.rsqrt(deg)
    dis_ref[...] = dis
    hs1_ref[...] = h * dis[0:N, :]


_tc_b = pl.pallas_call(
    _tc_b_body,
    out_shape=(
        jax.ShapeDtypeStruct((N, DH), jnp.float32),
        jax.ShapeDtypeStruct((NROWS, 1), jnp.float32),
    ),
)


def _tc_d_body(aggp_ref, hs1_ref, dis_ref, b1_ref, w2_ref, h1s2_ref):
    a = aggp_ref[0, 0:N, :] + aggp_ref[1, 0:N, :]
    dis = dis_ref[0:N, :]
    pre = (a + hs1_ref[...]) * dis + b1_ref[...]
    h1 = jnp.maximum(pre, 0.0)
    h1s2_ref[...] = jnp.dot(h1 * dis, w2_ref[...],
                            preferred_element_type=jnp.float32)


_tc_d = pl.pallas_call(
    _tc_d_body,
    out_shape=jax.ShapeDtypeStruct((N, DP), jnp.float32),
)


def _tc_f_body(aggp_ref, h1s2_ref, dis_ref, b2_ref, out_ref):
    v = (aggp_ref[0, 0:N, :] + aggp_ref[1, 0:N, :] + h1s2_ref[...]) \
        * dis_ref[0:N, :]
    cl = v[:, 0:DO] + b2_ref[...]
    m = jnp.max(cl, axis=1, keepdims=True)
    e = jnp.exp(cl - m)
    lse = m + jnp.log(jnp.sum(e, axis=1, keepdims=True))
    out_ref[...] = cl - lse


_tc_f = pl.pallas_call(
    _tc_f_body,
    out_shape=jax.ShapeDtypeStruct((N, DO), jnp.float32),
)


def kernel(x, edge_index, W1, b1, W2, b2):
    ei = edge_index.astype(jnp.int32)
    pad = EP - E
    srcp = jnp.concatenate([ei[0], jnp.zeros((pad,), jnp.int32)])
    srcp = srcp.reshape(NC, NS, NCH, CH)
    dstp = jnp.concatenate([ei[1], jnp.full((pad,), N, jnp.int32)])
    dstp = dstp.reshape(NC, NS, NCH, CH)
    pidx = jnp.stack([srcp, dstp], axis=3).reshape(NC, NS, 2 * NCH, CH)
    zeros1 = jnp.zeros((NROWS,), jnp.float32)
    zeros2 = jnp.zeros((NROWS, DH), jnp.float32)
    zeros3 = jnp.zeros((NROWS, DP), jnp.float32)
    W2p = jnp.zeros((DH, DP), jnp.float32).at[:, 0:DO].set(W2)

    degp = _deg_call(pidx, zeros1)
    hs1, dis = _tc_b(x, W1, degp.T)
    agg1 = _agg_call(pidx, hs1, zeros2)
    h1s2 = _tc_d(agg1, hs1, dis, b1.reshape(1, DH), W2p)
    agg2 = _agg2_call(pidx, h1s2, zeros3)
    return _tc_f(agg2, h1s2, dis, b2.reshape(1, DO))

# --- scband reference (transcript-rebuilt; emitter-appended) ---
"""Pipeline reference for scband-gnn-2568390443492 (READ-ONLY COPY).

The authoritative reference and input builder live on the scoring server;
editing this copy changes nothing except your own understanding.
"""

import jax, jax.numpy as jnp
import numpy as np

N_NODES = 10000
N_EDGES = 320000
D_FEAT = 128
D_HID = 16
D_OUT = 2


def glorot(key, shape):
    limit = float(np.sqrt(6.0 / (shape[0] + shape[1])))
    return jax.random.uniform(key, shape, dtype=jnp.float32, minval=-limit, maxval=limit)


def setup_inputs(seed: int = 0) -> dict:
    key = jax.random.key(seed)
    k1, k2, k3, k4 = jax.random.split(key, 4)
    x = jax.random.normal(k1, (N_NODES, D_FEAT), dtype=jnp.float32)
    edge_index = jax.random.randint(k2, (2, N_EDGES), 0, N_NODES, dtype=jnp.int64)
    W1 = glorot(k3, (D_FEAT, D_HID))
    b1 = jnp.zeros((D_HID,), dtype=jnp.float32)
    W2 = glorot(k4, (D_HID, D_OUT))
    b2 = jnp.zeros((D_OUT,), dtype=jnp.float32)
    return {"x": x, "edge_index": edge_index, "W1": W1, "b1": b1, "W2": W2, "b2": b2}


def gcn_conv(x, src, dst, W, b):
    # x: [N, Fin]; src/dst already include self-loops
    n = x.shape[0]
    h = x @ W  # linear transform first (Fin -> Fout)
    deg = jnp.zeros((n,), dtype=jnp.float32).at[dst].add(1.0)
    deg_inv_sqrt = jnp.where(deg > 0, 1.0 / jnp.sqrt(jnp.maximum(deg, 1.0)), 0.0)
    norm = deg_inv_sqrt[src] * deg_inv_sqrt[dst]  # [E]
    msgs = h[src] * norm[:, None]  # gather + scale
    out = jnp.zeros_like(h).at[dst].add(msgs)  # scatter-add aggregation
    return out + b


def reference(x, edge_index, W1, b1, W2, b2):
    n = x.shape[0]
    loop = jnp.arange(n, dtype=edge_index.dtype)
    src = jnp.concatenate([edge_index[0], loop])
    dst = jnp.concatenate([edge_index[1], loop])
    h = gcn_conv(x, src, dst, W1, b1)
    h = jax.nn.relu(h)
    h = gcn_conv(h, src, dst, W2, b2)
    return jax.nn.log_softmax(h, axis=1)

if __name__ == "__main__":
    import jax
    _d = setup_inputs()
    print(jax.jit(kernel)(*tuple(_d.values())))

</pallas_src>

<mosaic_0001>
#map = affine_map<(d0, d1) -> (0, 0, 0, 0)>
#map1 = affine_map<(d0, d1) -> (0, 0)>
#map2 = affine_map<(d0, d1) -> (0, 0, 0)>
module attributes {stable_mosaic.version = 14 : i64} {
  func.func @body(%arg0: i32, %arg1: i32, %arg2: memref<2x16x160x128xi32, #tpu.memory_space<hbm>>, %arg3: memref<10000x16xf32, #tpu.memory_space<hbm>>, %arg4: memref<10240x16xf32, #tpu.memory_space<hbm>>, %arg5: memref<2x10240x16xf32, #tpu.memory_space<hbm>>, %arg6: memref<10240x16xf32, #tpu.memory_space<vmem_shared>>, %arg7: memref<160x128xi32, #tpu.memory_space<vmem>>, %arg8: memref<128x16xf32, #tpu.memory_space<vmem>>, %arg9: memref<128x16xf32, #tpu.memory_space<vmem>>, %arg10: memref<!tpu.dma_semaphore, #tpu.memory_space<semaphore_mem>>, %arg11: memref<!tpu.dma_semaphore, #tpu.memory_space<semaphore_mem>>) attributes {dimension_semantics = [#tpu.dimension_semantics<core_parallel>, #tpu.dimension_semantics<subcore_parallel>], iteration_bounds = array<i64: 2, 16>, scalar_prefetch = 0 : i64, scratch_operands = 6 : i64, tpu.core_type = #tpu.core_type<sc_vector_subcore>, window_params = [{transform_indices = #map}, {transform_indices = #map1}, {transform_indices = #map1}, {transform_indices = #map2}]} {
    %dma_start3A = arith.constant 0 : i32
    %dma_start3A_0 = arith.constant 0 : i32
    %dma_start3A_1 = tpu.memref_slice %arg2[%arg0, %arg1, %dma_start3A, %dma_start3A_0] : memref<2x16x160x128xi32, #tpu.memory_space<hbm>> -> memref<1x1x160x128xi32, #tpu.memory_space<hbm>>
    %dma_start3A_2 = tpu.memref_squeeze %dma_start3A_1 : memref<1x1x160x128xi32, #tpu.memory_space<hbm>> -> memref<160x128xi32, #tpu.memory_space<hbm>>
    %dma_start3A_3 = arith.constant 0 : i32
    %dma_start3A_4 = arith.constant 0 : i32
    %dma_start3A_5 = tpu.memref_slice %arg2[%arg0, %arg1, %dma_start3A_3, %dma_start3A_4] : memref<2x16x160x128xi32, #tpu.memory_space<hbm>> -> memref<1x1x160x128xi32, #tpu.memory_space<hbm>>
    %dma_start3A_6 = tpu.memref_squeeze %dma_start3A_5 : memref<1x1x160x128xi32, #tpu.memory_space<hbm>> -> memref<160x128xi32, #tpu.memory_space<hbm>>
    tpu.enqueue_dma source(%dma_start3A_6 : memref<160x128xi32, #tpu.memory_space<hbm>>) target(%arg7 : memref<160x128xi32, #tpu.memory_space<vmem>>) target_semaphore(%arg10 : memref<!tpu.dma_semaphore, #tpu.memory_space<semaphore_mem>>)
    %mul3A = arith.constant 640 : i32
    %mul3A_7 = arith.muli %arg1, %mul3A : i32
    %mul3A_8 = arith.constant 640 : i32
    %mul3A_9 = arith.muli %arg1, %mul3A_8 : i32
    "tpu.region"() ({
      %run_scoped3A = tpu.sem_alloc : memref<!tpu.dma_semaphore, #tpu.memory_space<semaphore_mem>>
      %dma_start3A_41 = arith.constant 0 : i32
      %dma_start3A_42 = tpu.memref_slice %arg6[%mul3A_9, %dma_start3A_41] : memref<10240x16xf32, #tpu.memory_space<vmem_shared>> -> memref<640x16xf32, #tpu.memory_space<vmem_shared>>
      %dma_start3A_43 = arith.constant 0 : i32
      %dma_start3A_44 = tpu.memref_slice %arg4[%mul3A_7, %dma_start3A_43] : memref<10240x16xf32, #tpu.memory_space<hbm>> -> memref<640x16xf32, #tpu.memory_space<hbm>>
      tpu.enqueue_dma source(%dma_start3A_44 : memref<640x16xf32, #tpu.memory_space<hbm>>) target(%dma_start3A_42 : memref<640x16xf32, #tpu.memory_space<vmem_shared>>) target_semaphore(%run_scoped3A : memref<!tpu.dma_semaphore, #tpu.memory_space<semaphore_mem>>)
      %dma_wait3A_45 = arith.constant 0 : i32
      %dma_wait3A_46 = tpu.memref_slice %arg6[%mul3A_9, %dma_wait3A_45] : memref<10240x16xf32, #tpu.memory_space<vmem_shared>> -> memref<640x16xf32, #tpu.memory_space<vmem_shared>>
      %dma_wait3A_47 = arith.constant 0 : i32
      %dma_wait3A_48 = tpu.memref_slice %arg4[%mul3A_7, %dma_wait3A_47] : memref<10240x16xf32, #tpu.memory_space<hbm>> -> memref<640x16xf32, #tpu.memory_space<hbm>>
      tpu.wait_dma2 semaphore(%run_scoped3A : memref<!tpu.dma_semaphore, #tpu.memory_space<semaphore_mem>>) src(%dma_wait3A_48 : memref<640x16xf32, #tpu.memory_space<hbm>>) dst(%dma_wait3A_46 : memref<640x16xf32, #tpu.memory_space<vmem_shared>>)
      tpu.yield
    }) : () -> ()
    %dma_wait3A = arith.constant 0 : i32
    %dma_wait3A_10 = arith.constant 0 : i32
    %dma_wait3A_11 = tpu.memref_slice %arg2[%arg0, %arg1, %dma_wait3A, %dma_wait3A_10] : memref<2x16x160x128xi32, #tpu.memory_space<hbm>> -> memref<1x1x160x128xi32, #tpu.memory_space<hbm>>
    %dma_wait3A_12 = tpu.memref_squeeze %dma_wait3A_11 : memref<1x1x160x128xi32, #tpu.memory_space<hbm>> -> memref<160x128xi32, #tpu.memory_space<hbm>>
    %dma_wait3A_13 = arith.constant 0 : i32
    %dma_wait3A_14 = arith.constant 0 : i32
    %dma_wait3A_15 = tpu.memref_slice %arg2[%arg0, %arg1, %dma_wait3A_13, %dma_wait3A_14] : memref<2x16x160x128xi32, #tpu.memory_space<hbm>> -> memref<1x1x160x128xi32, #tpu.memory_space<hbm>>
    %dma_wait3A_16 = tpu.memref_squeeze %dma_wait3A_15 : memref<1x1x160x128xi32, #tpu.memory_space<hbm>> -> memref<160x128xi32, #tpu.memory_space<hbm>>
    tpu.wait_dma2 semaphore(%arg10 : memref<!tpu.dma_semaphore, #tpu.memory_space<semaphore_mem>>) src(%dma_wait3A_16 : memref<160x128xi32, #tpu.memory_space<hbm>>) dst(%arg7 : memref<160x128xi32, #tpu.memory_space<vmem>>)
    %barrier3A = arith.constant 0 : index
    tpu.barrier barrier_id(%barrier3A)
    %dma_start3A_17 = arith.constant 0 : i32
    %dma_start3A_18 = arith.constant 0 : i32
    %dma_start3A_19 = tpu.memref_slice %arg7[%dma_start3A_17, %dma_start3A_18] : memref<160x128xi32, #tpu.memory_space<vmem>> -> memref<1x128xi32, #tpu.memory_space<vmem>>
    %dma_start3A_20 = tpu.memref_squeeze %dma_start3A_19 : memref<1x128xi32, #tpu.memory_space<vmem>> -> memref<128xi32, #tpu.memory_space<vmem>>
    %dma_start3A_21 = arith.constant 0 : i32
    %dma_start3A_22 = arith.constant 0 : i32
    %dma_start3A_23 = tpu.memref_slice %arg3[%dma_start3A_21, %dma_start3A_22] : memref<10000x16xf32, #tpu.memory_space<hbm>> -> memref<10000x16xf32, #tpu.memory_space<hbm>>
    tpu.enqueue_indirect_dma source(%dma_start3A_23 : memref<10000x16xf32, #tpu.memory_space<hbm>>) target(%arg8 : memref<128x16xf32, #tpu.memory_space<vmem>>) offsets(%dma_start3A_20 : memref<128xi32, #tpu.memory_space<vmem>>) semaphore(%arg10 : memref<!tpu.dma_semaphore, #tpu.memory_space<semaphore_mem>>)
    %scan3A = arith.constant 0 : i32
    %scan3A_24 = arith.constant 0 : i32
    %scan3A_25 = arith.constant 40 : i32
    %scan3A_26 = arith.addi %scan3A_24, %scan3A_25 : i32
    %scan3A_27 = arith.constant 1 : i32
    scf.for %scan3A_41 = %scan3A_24 to %scan3A_26 step %scan3A_27  : i32 {
      %mul3A_42 = arith.constant 4 : i32
      %mul3A_43 = arith.muli %mul3A_42, %scan3A_41 : i32
      %add3A = arith.constant 2 : i32
      %add3A_44 = arith.addi %mul3A_43, %add3A : i32
      %dma_start3A_45 = arith.constant 0 : i32
      %dma_start3A_46 = tpu.memref_slice %arg7[%add3A_44, %dma_start3A_45] : memref<160x128xi32, #tpu.memory_space<vmem>> -> memref<1x128xi32, #tpu.memory_space<vmem>>
      %dma_start3A_47 = tpu.memref_squeeze %dma_start3A_46 : memref<1x128xi32, #tpu.memory_space<vmem>> -> memref<128xi32, #tpu.memory_space<vmem>>
      %dma_start3A_48 = arith.constant 0 : i32
      %dma_start3A_49 = arith.constant 0 : i32
      %dma_start3A_50 = tpu.memref_slice %arg3[%dma_start3A_48, %dma_start3A_49] : memref<10000x16xf32, #tpu.memory_space<hbm>> -> memref<10000x16xf32, #tpu.memory_space<hbm>>
      tpu.enqueue_indirect_dma source(%dma_start3A_50 : memref<10000x16xf32, #tpu.memory_space<hbm>>) target(%arg9 : memref<128x16xf32, #tpu.memory_space<vmem>>) offsets(%dma_start3A_47 : memref<128xi32, #tpu.memory_space<vmem>>) semaphore(%arg11 : memref<!tpu.dma_semaphore, #tpu.memory_space<semaphore_mem>>)
      %dma_wait3A_51 = arith.constant 0 : i32
      %dma_wait3A_52 = arith.constant 0 : i32
      %dma_wait3A_53 = tpu.memref_slice %arg7[%dma_wait3A_51, %dma_wait3A_52] : memref<160x128xi32, #tpu.memory_space<vmem>> -> memref<1x128xi32, #tpu.memory_space<vmem>>
      %dma_wait3A_54 = tpu.memref_squeeze %dma_wait3A_53 : memref<1x128xi32, #tpu.memory_space<vmem>> -> memref<128xi32, #tpu.memory_space<vmem>>
      %dma_wait3A_55 = arith.constant 0 : i32
      %dma_wait3A_56 = arith.constant 0 : i32
      %dma_wait3A_57 = tpu.memref_slice %arg3[%dma_wait3A_55, %dma_wait3A_56] : memref<10000x16xf32, #tpu.memory_space<hbm>> -> memref<10000x16xf32, #tpu.memory_space<hbm>>
      tpu.wait_indirect_dma semaphore(%arg10 : memref<!tpu.dma_semaphore, #tpu.memory_space<semaphore_mem>>) src(%dma_wait3A_57 : memref<10000x16xf32, #tpu.memory_space<hbm>>) dst(%arg8 : memref<128x16xf32, #tpu.memory_space<vmem>>)
      %add3A_58 = arith.constant 1 : i32
      %add3A_59 = arith.addi %mul3A_43, %add3A_58 : i32
      "tpu.region"() ({
        %run_scoped3A = tpu.sem_alloc : memref<!tpu.dma_semaphore, #tpu.memory_space<semaphore_mem>>
        %dma_start3A_78 = arith.constant 0 : i32
        %dma_start3A_79 = tpu.memref_slice %arg7[%add3A_59, %dma_start3A_78] : memref<160x128xi32, #tpu.memory_space<vmem>> -> memref<1x128xi32, #tpu.memory_space<vmem>>
        %dma_start3A_80 = tpu.memref_squeeze %dma_start3A_79 : memref<1x128xi32, #tpu.memory_space<vmem>> -> memref<128xi32, #tpu.memory_space<vmem>>
        %dma_start3A_81 = arith.constant 0 : i32
        %dma_start3A_82 = arith.constant 0 : i32
        %dma_start3A_83 = tpu.memref_slice %arg6[%dma_start3A_81, %dma_start3A_82] : memref<10240x16xf32, #tpu.memory_space<vmem_shared>> -> memref<10240x16xf32, #tpu.memory_space<vmem_shared>>
        tpu.enqueue_indirect_dma source(%arg8 : memref<128x16xf32, #tpu.memory_space<vmem>>) target(%dma_start3A_83 : memref<10240x16xf32, #tpu.memory_space<vmem_shared>>) offsets(%dma_start3A_80 : memref<128xi32, #tpu.memory_space<vmem>>) semaphore(%run_scoped3A : memref<!tpu.dma_semaphore, #tpu.memory_space<semaphore_mem>>) {add = true}
        %dma_wait3A_84 = arith.constant 0 : i32
        %dma_wait3A_85 = tpu.memref_slice %arg7[%add3A_59, %dma_wait3A_84] : memref<160x128xi32, #tpu.memory_space<vmem>> -> memref<1x128xi32, #tpu.memory_space<vmem>>
        %dma_wait3A_86 = tpu.memref_squeeze %dma_wait3A_85 : memref<1x128xi32, #tpu.memory_space<vmem>> -> memref<128xi32, #tpu.memory_space<vmem>>
        %dma_wait3A_87 = arith.constant 0 : i32
        %dma_wait3A_88 = arith.constant 0 : i32
        %dma_wait3A_89 = tpu.memref_slice %arg6[%dma_wait3A_87, %dma_wait3A_88] : memref<10240x16xf32, #tpu.memory_space<vmem_shared>> -> memref<10240x16xf32, #tpu.memory_space<vmem_shared>>
        tpu.wait_indirect_dma semaphore(%run_scoped3A : memref<!tpu.dma_semaphore, #tpu.memory_space<semaphore_mem>>) src(%arg8 : memref<128x16xf32, #tpu.memory_space<vmem>>) dst(%dma_wait3A_89 : memref<10240x16xf32, #tpu.memory_space<vmem_shared>>)
        tpu.yield
      }) : () -> ()
      %add3A_60 = arith.constant 4 : i32
      %add3A_61 = arith.addi %mul3A_43, %add3A_60 : i32
      %min3A = arith.constant 158 : i32
      %min3A_62 = arith.minsi %add3A_61, %min3A : i32
      %dma_start3A_63 = arith.constant 0 : i32
      %dma_start3A_64 = tpu.memref_slice %arg7[%min3A_62, %dma_start3A_63] : memref<160x128xi32, #tpu.memory_space<vmem>> -> memref<1x128xi32, #tpu.memory_space<vmem>>
      %dma_start3A_65 = tpu.memref_squeeze %dma_start3A_64 : memref<1x128xi32, #tpu.memory_space<vmem>> -> memref<128xi32, #tpu.memory_space<vmem>>
      %dma_start3A_66 = arith.constant 0 : i32
      %dma_start3A_67 = arith.constant 0 : i32
      %dma_start3A_68 = tpu.memref_slice %arg3[%dma_start3A_66, %dma_start3A_67] : memref<10000x16xf32, #tpu.memory_space<hbm>> -> memref<10000x16xf32, #tpu.memory_space<hbm>>
      tpu.enqueue_indirect_dma source(%dma_start3A_68 : memref<10000x16xf32, #tpu.memory_space<hbm>>) target(%arg8 : memref<128x16xf32, #tpu.memory_space<vmem>>) offsets(%dma_start3A_65 : memref<128xi32, #tpu.memory_space<vmem>>) semaphore(%arg10 : memref<!tpu.dma_semaphore, #tpu.memory_space<semaphore_mem>>)
      %dma_wait3A_69 = arith.constant 0 : i32
      %dma_wait3A_70 = arith.constant 0 : i32
      %dma_wait3A_71 = tpu.memref_slice %arg7[%dma_wait3A_69, %dma_wait3A_70] : memref<160x128xi32, #tpu.memory_space<vmem>> -> memref<1x128xi32, #tpu.memory_space<vmem>>
      %dma_wait3A_72 = tpu.memref_squeeze %dma_wait3A_71 : memref<1x128xi32, #tpu.memory_space<vmem>> -> memref<128xi32, #tpu.memory_space<vmem>>
      %dma_wait3A_73 = arith.constant 0 : i32
      %dma_wait3A_74 = arith.constant 0 : i32
      %dma_wait3A_75 = tpu.memref_slice %arg3[%dma_wait3A_73, %dma_wait3A_74] : memref<10000x16xf32, #tpu.memory_space<hbm>> -> memref<10000x16xf32, #tpu.memory_space<hbm>>
      tpu.wait_indirect_dma semaphore(%arg11 : memref<!tpu.dma_semaphore, #tpu.memory_space<semaphore_mem>>) src(%dma_wait3A_75 : memref<10000x16xf32, #tpu.memory_space<hbm>>) dst(%arg9 : memref<128x16xf32, #tpu.memory_space<vmem>>)
      %add3A_76 = arith.constant 3 : i32
      %add3A_77 = arith.addi %mul3A_43, %add3A_76 : i32
      "tpu.region"() ({
        %run_scoped3A = tpu.sem_alloc : memref<!tpu.dma_semaphore, #tpu.memory_space<semaphore_mem>>
        %dma_start3A_78 = arith.constant 0 : i32
        %dma_start3A_79 = tpu.memref_slice %arg7[%add3A_77, %dma_start3A_78] : memref<160x128xi32, #tpu.memory_space<vmem>> -> memref<1x128xi32, #tpu.memory_space<vmem>>
        %dma_start3A_80 = tpu.memref_squeeze %dma_start3A_79 : memref<1x128xi32, #tpu.memory_space<vmem>> -> memref<128xi32, #tpu.memory_space<vmem>>
        %dma_start3A_81 = arith.constant 0 : i32
        %dma_start3A_82 = arith.constant 0 : i32
        %dma_start3A_83 = tpu.memref_slice %arg6[%dma_start3A_81, %dma_start3A_82] : memref<10240x16xf32, #tpu.memory_space<vmem_shared>> -> memref<10240x16xf32, #tpu.memory_space<vmem_shared>>
        tpu.enqueue_indirect_dma source(%arg9 : memref<128x16xf32, #tpu.memory_space<vmem>>) target(%dma_start3A_83 : memref<10240x16xf32, #tpu.memory_space<vmem_shared>>) offsets(%dma_start3A_80 : memref<128xi32, #tpu.memory_space<vmem>>) semaphore(%run_scoped3A : memref<!tpu.dma_semaphore, #tpu.memory_space<semaphore_mem>>) {add = true}
        %dma_wait3A_84 = arith.constant 0 : i32
        %dma_wait3A_85 = tpu.memref_slice %arg7[%add3A_77, %dma_wait3A_84] : memref<160x128xi32, #tpu.memory_space<vmem>> -> memref<1x128xi32, #tpu.memory_space<vmem>>
        %dma_wait3A_86 = tpu.memref_squeeze %dma_wait3A_85 : memref<1x128xi32, #tpu.memory_space<vmem>> -> memref<128xi32, #tpu.memory_space<vmem>>
        %dma_wait3A_87 = arith.constant 0 : i32
        %dma_wait3A_88 = arith.constant 0 : i32
        %dma_wait3A_89 = tpu.memref_slice %arg6[%dma_wait3A_87, %dma_wait3A_88] : memref<10240x16xf32, #tpu.memory_space<vmem_shared>> -> memref<10240x16xf32, #tpu.memory_space<vmem_shared>>
        tpu.wait_indirect_dma semaphore(%run_scoped3A : memref<!tpu.dma_semaphore, #tpu.memory_space<semaphore_mem>>) src(%arg9 : memref<128x16xf32, #tpu.memory_space<vmem>>) dst(%dma_wait3A_89 : memref<10240x16xf32, #tpu.memory_space<vmem_shared>>)
        tpu.yield
      }) : () -> ()
    }
    %scan3A_28 = arith.constant 40 : i32
    %dma_wait3A_29 = arith.constant 0 : i32
    %dma_wait3A_30 = arith.constant 0 : i32
    %dma_wait3A_31 = tpu.memref_slice %arg7[%dma_wait3A_29, %dma_wait3A_30] : memref<160x128xi32, #tpu.memory_space<vmem>> -> memref<1x128xi32, #tpu.memory_space<vmem>>
    %dma_wait3A_32 = tpu.memref_squeeze %dma_wait3A_31 : memref<1x128xi32, #tpu.memory_space<vmem>> -> memref<128xi32, #tpu.memory_space<vmem>>
    %dma_wait3A_33 = arith.constant 0 : i32
    %dma_wait3A_34 = arith.constant 0 : i32
    %dma_wait3A_35 = tpu.memref_slice %arg3[%dma_wait3A_33, %dma_wait3A_34] : memref<10000x16xf32, #tpu.memory_space<hbm>> -> memref<10000x16xf32, #tpu.memory_space<hbm>>
    tpu.wait_indirect_dma semaphore(%arg10 : memref<!tpu.dma_semaphore, #tpu.memory_space<semaphore_mem>>) src(%dma_wait3A_35 : memref<10000x16xf32, #tpu.memory_space<hbm>>) dst(%arg8 : memref<128x16xf32, #tpu.memory_space<vmem>>)
    %barrier3A_36 = arith.constant 0 : index
    tpu.barrier barrier_id(%barrier3A_36)
    %mul3A_37 = arith.constant 640 : i32
    %mul3A_38 = arith.muli %arg1, %mul3A_37 : i32
    %mul3A_39 = arith.constant 640 : i32
    %mul3A_40 = arith.muli %arg1, %mul3A_39 : i32
    "tpu.region"() ({
      %run_scoped3A = tpu.sem_alloc : memref<!tpu.dma_semaphore, #tpu.memory_space<semaphore_mem>>
      %dma_start3A_41 = arith.constant 0 : i32
      %dma_start3A_42 = arith.constant 0 : i32
      %dma_start3A_43 = tpu.memref_slice %arg5[%arg0, %dma_start3A_41, %dma_start3A_42] : memref<2x10240x16xf32, #tpu.memory_space<hbm>> -> memref<1x10240x16xf32, #tpu.memory_space<hbm>>
      %dma_start3A_44 = tpu.memref_squeeze %dma_start3A_43 : memref<1x10240x16xf32, #tpu.memory_space<hbm>> -> memref<10240x16xf32, #tpu.memory_space<hbm>>
      %dma_start3A_45 = arith.constant 0 : i32
      %dma_start3A_46 = tpu.memref_slice %dma_start3A_44[%mul3A_40, %dma_start3A_45] : memref<10240x16xf32, #tpu.memory_space<hbm>> -> memref<640x16xf32, #tpu.memory_space<hbm>>
      %dma_start3A_47 = arith.constant 0 : i32
      %dma_start3A_48 = tpu.memref_slice %arg6[%mul3A_38, %dma_start3A_47] : memref<10240x16xf32, #tpu.memory_space<vmem_shared>> -> memref<640x16xf32, #tpu.memory_space<vmem_shared>>
      tpu.enqueue_dma source(%dma_start3A_48 : memref<640x16xf32, #tpu.memory_space<vmem_shared>>) target(%dma_start3A_46 : memref<640x16xf32, #tpu.memory_space<hbm>>) target_semaphore(%run_scoped3A : memref<!tpu.dma_semaphore, #tpu.memory_space<semaphore_mem>>)
      %dma_wait3A_49 = arith.constant 0 : i32
      %dma_wait3A_50 = arith.constant 0 : i32
      %dma_wait3A_51 = tpu.memref_slice %arg5[%arg0, %dma_wait3A_49, %dma_wait3A_50] : memref<2x10240x16xf32, #tpu.memory_space<hbm>> -> memref<1x10240x16xf32, #tpu.memory_space<hbm>>
      %dma_wait3A_52 = tpu.memref_squeeze %dma_wait3A_51 : memref<1x10240x16xf32, #tpu.memory_space<hbm>> -> memref<10240x16xf32, #tpu.memory_space<hbm>>
      %dma_wait3A_53 = arith.constant 0 : i32
      %dma_wait3A_54 = tpu.memref_slice %dma_wait3A_52[%mul3A_40, %dma_wait3A_53] : memref<10240x16xf32, #tpu.memory_space<hbm>> -> memref<640x16xf32, #tpu.memory_space<hbm>>
      %dma_wait3A_55 = arith.constant 0 : i32
      %dma_wait3A_56 = tpu.memref_slice %arg6[%mul3A_38, %dma_wait3A_55] : memref<10240x16xf32, #tpu.memory_space<vmem_shared>> -> memref<640x16xf32, #tpu.memory_space<vmem_shared>>
      tpu.wait_dma2 semaphore(%run_scoped3A : memref<!tpu.dma_semaphore, #tpu.memory_space<semaphore_mem>>) src(%dma_wait3A_56 : memref<640x16xf32, #tpu.memory_space<vmem_shared>>) dst(%dma_wait3A_54 : memref<640x16xf32, #tpu.memory_space<hbm>>)
      tpu.yield
    }) : () -> ()
    return
  }
}

#map = affine_map<(d0, d1) -> (0, 0, 0, 0)>
#map1 = affine_map<(d0, d1) -> (0)>
#map2 = affine_map<(d0, d1) -> (0, 0)>
module attributes {stable_mosaic.version = 14 : i64} {
  func.func @_deg_body(%arg0: i32, %arg1: i32, %arg2: memref<2x16x160x128xi32, #tpu.memory_space<hbm>>, %arg3: memref<10240xf32, #tpu.memory_space<hbm>>, %arg4: memref<2x10240xf32, #tpu.memory_space<hbm>>, %arg5: memref<10240xf32, #tpu.memory_space<vmem_shared>>, %arg6: memref<160x128xi32, #tpu.memory_space<vmem>>, %arg7: memref<128xf32, #tpu.memory_space<vmem>>, %arg8: memref<!tpu.dma_semaphore, #tpu.memory_space<semaphore_mem>>) attributes {dimension_semantics = [#tpu.dimension_semantics<core_parallel>, #tpu.dimension_semantics<subcore_parallel>], iteration_bounds = array<i64: 2, 16>, scalar_prefetch = 0 : i64, scratch_operands = 4 : i64, tpu.core_type = #tpu.core_type<sc_vector_subcore>, window_params = [{transform_indices = #map}, {transform_indices = #map1}, {transform_indices = #map2}]} {
    %broadcast_in_dim3A = arith.constant 1.000000e+00 : f32
    %broadcast_in_dim3A_0 = vector.broadcast %broadcast_in_dim3A : f32 to vector<16xf32>
    %swap3A = arith.constant 0 : index
    %swap3A_1 = tpu.vector_load %arg7[%swap3A] {strides = array<i32>} : memref<128xf32, #tpu.memory_space<vmem>>, vector<16xf32>,
    %swap3A_2 = vector.shape_cast %swap3A_1 : vector<16xf32> to vector<16xf32>
    %swap3A_3 = vector.shape_cast %broadcast_in_dim3A_0 : vector<16xf32> to vector<16xf32>
    tpu.vector_store %arg7[%swap3A], %swap3A_3 {strides = array<i32>} : memref<128xf32, #tpu.memory_space<vmem>>, vector<16xf32>,
    %broadcast_in_dim3A_4 = arith.constant 1.000000e+00 : f32
    %broadcast_in_dim3A_5 = vector.broadcast %broadcast_in_dim3A_4 : f32 to vector<16xf32>
    %swap3A_6 = arith.constant 16 : index
    %swap3A_7 = tpu.vector_load %arg7[%swap3A_6] {strides = array<i32>} : memref<128xf32, #tpu.memory_space<vmem>>, vector<16xf32>,
    %swap3A_8 = vector.shape_cast %swap3A_7 : vector<16xf32> to vector<16xf32>
    %swap3A_9 = vector.shape_cast %broadcast_in_dim3A_5 : vector<16xf32> to vector<16xf32>
    tpu.vector_store %arg7[%swap3A_6], %swap3A_9 {strides = array<i32>} : memref<128xf32, #tpu.memory_space<vmem>>, vector<16xf32>,
    %broadcast_in_dim3A_10 = arith.constant 1.000000e+00 : f32
    %broadcast_in_dim3A_11 = vector.broadcast %broadcast_in_dim3A_10 : f32 to vector<16xf32>
    %swap3A_12 = arith.constant 32 : index
    %swap3A_13 = tpu.vector_load %arg7[%swap3A_12] {strides = array<i32>} : memref<128xf32, #tpu.memory_space<vmem>>, vector<16xf32>,
    %swap3A_14 = vector.shape_cast %swap3A_13 : vector<16xf32> to vector<16xf32>
    %swap3A_15 = vector.shape_cast %broadcast_in_dim3A_11 : vector<16xf32> to vector<16xf32>
    tpu.vector_store %arg7[%swap3A_12], %swap3A_15 {strides = array<i32>} : memref<128xf32, #tpu.memory_space<vmem>>, vector<16xf32>,
    %broadcast_in_dim3A_16 = arith.constant 1.000000e+00 : f32
    %broadcast_in_dim3A_17 = vector.broadcast %broadcast_in_dim3A_16 : f32 to vector<16xf32>
    %swap3A_18 = arith.constant 48 : index
    %swap3A_19 = tpu.vector_load %arg7[%swap3A_18] {strides = array<i32>} : memref<128xf32, #tpu.memory_space<vmem>>, vector<16xf32>,
    %swap3A_20 = vector.shape_cast %swap3A_19 : vector<16xf32> to vector<16xf32>
    %swap3A_21 = vector.shape_cast %broadcast_in_dim3A_17 : vector<16xf32> to vector<16xf32>
    tpu.vector_store %arg7[%swap3A_18], %swap3A_21 {strides = array<i32>} : memref<128xf32, #tpu.memory_space<vmem>>, vector<16xf32>,
    %broadcast_in_dim3A_22 = arith.constant 1.000000e+00 : f32
    %broadcast_in_dim3A_23 = vector.broadcast %broadcast_in_dim3A_22 : f32 to vector<16xf32>
    %swap3A_24 = arith.constant 64 : index
    %swap3A_25 = tpu.vector_load %arg7[%swap3A_24] {strides = array<i32>} : memref<128xf32, #tpu.memory_space<vmem>>, vector<16xf32>,
    %swap3A_26 = vector.shape_cast %swap3A_25 : vector<16xf32> to vector<16xf32>
    %swap3A_27 = vector.shape_cast %broadcast_in_dim3A_23 : vector<16xf32> to vector<16xf32>
    tpu.vector_store %arg7[%swap3A_24], %swap3A_27 {strides = array<i32>} : memref<128xf32, #tpu.memory_space<vmem>>, vector<16xf32>,
    %broadcast_in_dim3A_28 = arith.constant 1.000000e+00 : f32
    %broadcast_in_dim3A_29 = vector.broadcast %broadcast_in_dim3A_28 : f32 to vector<16xf32>
    %swap3A_30 = arith.constant 80 : index
    %swap3A_31 = tpu.vector_load %arg7[%swap3A_30] {strides = array<i32>} : memref<128xf32, #tpu.memory_space<vmem>>, vector<16xf32>,
    %swap3A_32 = vector.shape_cast %swap3A_31 : vector<16xf32> to vector<16xf32>
    %swap3A_33 = vector.shape_cast %broadcast_in_dim3A_29 : vector<16xf32> to vector<16xf32>
    tpu.vector_store %arg7[%swap3A_30], %swap3A_33 {strides = array<i32>} : memref<128xf32, #tpu.memory_space<vmem>>, vector<16xf32>,
    %broadcast_in_dim3A_34 = arith.constant 1.000000e+00 : f32
    %broadcast_in_dim3A_35 = vector.broadcast %broadcast_in_dim3A_34 : f32 to vector<16xf32>
    %swap3A_36 = arith.constant 96 : index
    %swap3A_37 = tpu.vector_load %arg7[%swap3A_36] {strides = array<i32>} : memref<128xf32, #tpu.memory_space<vmem>>, vector<16xf32>,
    %swap3A_38 = vector.shape_cast %swap3A_37 : vector<16xf32> to vector<16xf32>
    %swap3A_39 = vector.shape_cast %broadcast_in_dim3A_35 : vector<16xf32> to vector<16xf32>
    tpu.vector_store %arg7[%swap3A_36], %swap3A_39 {strides = array<i32>} : memref<128xf32, #tpu.memory_space<vmem>>, vector<16xf32>,
    %broadcast_in_dim3A_40 = arith.constant 1.000000e+00 : f32
    %broadcast_in_dim3A_41 = vector.broadcast %broadcast_in_dim3A_40 : f32 to vector<16xf32>
    %swap3A_42 = arith.constant 112 : index
    %swap3A_43 = tpu.vector_load %arg7[%swap3A_42] {strides = array<i32>} : memref<128xf32, #tpu.memory_space<vmem>>, vector<16xf32>,
    %swap3A_44 = vector.shape_cast %swap3A_43 : vector<16xf32> to vector<16xf32>
    %swap3A_45 = vector.shape_cast %broadcast_in_dim3A_41 : vector<16xf32> to vector<16xf32>
    tpu.vector_store %arg7[%swap3A_42], %swap3A_45 {strides = array<i32>} : memref<128xf32, #tpu.memory_space<vmem>>, vector<16xf32>,
    %dma_start3A = arith.constant 0 : i32
    %dma_start3A_46 = arith.constant 0 : i32
    %dma_start3A_47 = tpu.memref_slice %arg2[%arg0, %arg1, %dma_start3A, %dma_start3A_46] : memref<2x16x160x128xi32, #tpu.memory_space<hbm>> -> memref<1x1x160x128xi32, #tpu.memory_space<hbm>>
    %dma_start3A_48 = tpu.memref_squeeze %dma_start3A_47 : memref<1x1x160x128xi32, #tpu.memory_space<hbm>> -> memref<160x128xi32, #tpu.memory_space<hbm>>
    %dma_start3A_49 = arith.constant 0 : i32
    %dma_start3A_50 = arith.constant 0 : i32
    %dma_start3A_51 = tpu.memref_slice %arg2[%arg0, %arg1, %dma_start3A_49, %dma_start3A_50] : memref<2x16x160x128xi32, #tpu.memory_space<hbm>> -> memref<1x1x160x128xi32, #tpu.memory_space<hbm>>
    %dma_start3A_52 = tpu.memref_squeeze %dma_start3A_51 : memref<1x1x160x128xi32, #tpu.memory_space<hbm>> -> memref<160x128xi32, #tpu.memory_space<hbm>>
    tpu.enqueue_dma source(%dma_start3A_52 : memref<160x128xi32, #tpu.memory_space<hbm>>) target(%arg6 : memref<160x128xi32, #tpu.memory_space<vmem>>) target_semaphore(%arg8 : memref<!tpu.dma_semaphore, #tpu.memory_space<semaphore_mem>>)
    %mul3A = arith.constant 640 : i32
    %mul3A_53 = arith.muli %arg1, %mul3A : i32
    %mul3A_54 = arith.constant 640 : i32
    %mul3A_55 = arith.muli %arg1, %mul3A_54 : i32
    "tpu.region"() ({
      %run_scoped3A = tpu.sem_alloc : memref<!tpu.dma_semaphore, #tpu.memory_space<semaphore_mem>>
      %dma_start3A_73 = tpu.memref_slice %arg5[%mul3A_55] : memref<10240xf32, #tpu.memory_space<vmem_shared>> -> memref<640xf32, #tpu.memory_space<vmem_shared>>
      %dma_start3A_74 = tpu.memref_slice %arg3[%mul3A_53] : memref<10240xf32, #tpu.memory_space<hbm>> -> memref<640xf32, #tpu.memory_space<hbm>>
      tpu.enqueue_dma source(%dma_start3A_74 : memref<640xf32, #tpu.memory_space<hbm>>) target(%dma_start3A_73 : memref<640xf32, #tpu.memory_space<vmem_shared>>) target_semaphore(%run_scoped3A : memref<!tpu.dma_semaphore, #tpu.memory_space<semaphore_mem>>)
      %dma_wait3A_75 = tpu.memref_slice %arg5[%mul3A_55] : memref<10240xf32, #tpu.memory_space<vmem_shared>> -> memref<640xf32, #tpu.memory_space<vmem_shared>>
      %dma_wait3A_76 = tpu.memref_slice %arg3[%mul3A_53] : memref<10240xf32, #tpu.memory_space<hbm>> -> memref<640xf32, #tpu.memory_space<hbm>>
      tpu.wait_dma2 semaphore(%run_scoped3A : memref<!tpu.dma_semaphore, #tpu.memory_space<semaphore_mem>>) src(%dma_wait3A_76 : memref<640xf32, #tpu.memory_space<hbm>>) dst(%dma_wait3A_75 : memref<640xf32, #tpu.memory_space<vmem_shared>>)
      tpu.yield
    }) : () -> ()
    %dma_wait3A = arith.constant 0 : i32
    %dma_wait3A_56 = arith.constant 0 : i32
    %dma_wait3A_57 = tpu.memref_slice %arg2[%arg0, %arg1, %dma_wait3A, %dma_wait3A_56] : memref<2x16x160x128xi32, #tpu.memory_space<hbm>> -> memref<1x1x160x128xi32, #tpu.memory_space<hbm>>
    %dma_wait3A_58 = tpu.memref_squeeze %dma_wait3A_57 : memref<1x1x160x128xi32, #tpu.memory_space<hbm>> -> memref<160x128xi32, #tpu.memory_space<hbm>>
    %dma_wait3A_59 = arith.constant 0 : i32
    %dma_wait3A_60 = arith.constant 0 : i32
    %dma_wait3A_61 = tpu.memref_slice %arg2[%arg0, %arg1, %dma_wait3A_59, %dma_wait3A_60] : memref<2x16x160x128xi32, #tpu.memory_space<hbm>> -> memref<1x1x160x128xi32, #tpu.memory_space<hbm>>
    %dma_wait3A_62 = tpu.memref_squeeze %dma_wait3A_61 : memref<1x1x160x128xi32, #tpu.memory_space<hbm>> -> memref<160x128xi32, #tpu.memory_space<hbm>>
    tpu.wait_dma2 semaphore(%arg8 : memref<!tpu.dma_semaphore, #tpu.memory_space<semaphore_mem>>) src(%dma_wait3A_62 : memref<160x128xi32, #tpu.memory_space<hbm>>) dst(%arg6 : memref<160x128xi32, #tpu.memory_space<vmem>>)
    %barrier3A = arith.constant 0 : index
    tpu.barrier barrier_id(%barrier3A)
    %scan3A = arith.constant 0 : i32
    %scan3A_63 = arith.constant 0 : i32
    %scan3A_64 = arith.constant 80 : i32
    %scan3A_65 = arith.addi %scan3A_63, %scan3A_64 : i32
    %scan3A_66 = arith.constant 1 : i32
    scf.for %scan3A_73 = %scan3A_63 to %scan3A_65 step %scan3A_66  : i32 {
      %mul3A_74 = arith.constant 2 : i32
      %mul3A_75 = arith.muli %mul3A_74, %scan3A_73 : i32
      %add3A = arith.constant 1 : i32
      %add3A_76 = arith.addi %mul3A_75, %add3A : i32
      "tpu.region"() ({
        %run_scoped3A = tpu.sem_alloc : memref<!tpu.dma_semaphore, #tpu.memory_space<semaphore_mem>>
        %dma_start3A_77 = arith.constant 0 : i32
        %dma_start3A_78 = tpu.memref_slice %arg6[%add3A_76, %dma_start3A_77] : memref<160x128xi32, #tpu.memory_space<vmem>> -> memref<1x128xi32, #tpu.memory_space<vmem>>
        %dma_start3A_79 = tpu.memref_squeeze %dma_start3A_78 : memref<1x128xi32, #tpu.memory_space<vmem>> -> memref<128xi32, #tpu.memory_space<vmem>>
        %dma_start3A_80 = arith.constant 0 : i32
        %dma_start3A_81 = tpu.memref_slice %arg5[%dma_start3A_80] : memref<10240xf32, #tpu.memory_space<vmem_shared>> -> memref<10240xf32, #tpu.memory_space<vmem_shared>>
        tpu.enqueue_indirect_dma source(%arg7 : memref<128xf32, #tpu.memory_space<vmem>>) target(%dma_start3A_81 : memref<10240xf32, #tpu.memory_space<vmem_shared>>) offsets(%dma_start3A_79 : memref<128xi32, #tpu.memory_space<vmem>>) semaphore(%run_scoped3A : memref<!tpu.dma_semaphore, #tpu.memory_space<semaphore_mem>>) {add = true}
        %dma_wait3A_82 = arith.constant 0 : i32
        %dma_wait3A_83 = tpu.memref_slice %arg6[%add3A_76, %dma_wait3A_82] : memref<160x128xi32, #tpu.memory_space<vmem>> -> memref<1x128xi32, #tpu.memory_space<vmem>>
        %dma_wait3A_84 = tpu.memref_squeeze %dma_wait3A_83 : memref<1x128xi32, #tpu.memory_space<vmem>> -> memref<128xi32, #tpu.memory_space<vmem>>
        %dma_wait3A_85 = arith.constant 0 : i32
        %dma_wait3A_86 = tpu.memref_slice %arg5[%dma_wait3A_85] : memref<10240xf32, #tpu.memory_space<vmem_shared>> -> memref<10240xf32, #tpu.memory_space<vmem_shared>>
        tpu.wait_indirect_dma semaphore(%run_scoped3A : memref<!tpu.dma_semaphore, #tpu.memory_space<semaphore_mem>>) src(%arg7 : memref<128xf32, #tpu.memory_space<vmem>>) dst(%dma_wait3A_86 : memref<10240xf32, #tpu.memory_space<vmem_shared>>)
        tpu.yield
      }) : () -> ()
    }
    %scan3A_67 = arith.constant 80 : i32
    %barrier3A_68 = arith.constant 0 : index
    tpu.barrier barrier_id(%barrier3A_68)
    %mul3A_69 = arith.constant 640 : i32
    %mul3A_70 = arith.muli %arg1, %mul3A_69 : i32
    %mul3A_71 = arith.constant 640 : i32
    %mul3A_72 = arith.muli %arg1, %mul3A_71 : i32
    "tpu.region"() ({
      %run_scoped3A = tpu.sem_alloc : memref<!tpu.dma_semaphore, #tpu.memory_space<semaphore_mem>>
      %dma_start3A_73 = arith.constant 0 : i32
      %dma_start3A_74 = tpu.memref_slice %arg4[%arg0, %dma_start3A_73] : memref<2x10240xf32, #tpu.memory_space<hbm>> -> memref<1x10240xf32, #tpu.memory_space<hbm>>
      %dma_start3A_75 = tpu.memref_squeeze %dma_start3A_74 : memref<1x10240xf32, #tpu.memory_space<hbm>> -> memref<10240xf32, #tpu.memory_space<hbm>>
      %dma_start3A_76 = tpu.memref_slice %dma_start3A_75[%mul3A_72] : memref<10240xf32, #tpu.memory_space<hbm>> -> memref<640xf32, #tpu.memory_space<hbm>>
      %dma_start3A_77 = tpu.memref_slice %arg5[%mul3A_70] : memref<10240xf32, #tpu.memory_space<vmem_shared>> -> memref<640xf32, #tpu.memory_space<vmem_shared>>
      tpu.enqueue_dma source(%dma_start3A_77 : memref<640xf32, #tpu.memory_space<vmem_shared>>) target(%dma_start3A_76 : memref<640xf32, #tpu.memory_space<hbm>>) target_semaphore(%run_scoped3A : memref<!tpu.dma_semaphore, #tpu.memory_space<semaphore_mem>>)
      %dma_wait3A_78 = arith.constant 0 : i32
      %dma_wait3A_79 = tpu.memref_slice %arg4[%arg0, %dma_wait3A_78] : memref<2x10240xf32, #tpu.memory_space<hbm>> -> memref<1x10240xf32, #tpu.memory_space<hbm>>
      %dma_wait3A_80 = tpu.memref_squeeze %dma_wait3A_79 : memref<1x10240xf32, #tpu.memory_space<hbm>> -> memref<10240xf32, #tpu.memory_space<hbm>>
      %dma_wait3A_81 = tpu.memref_slice %dma_wait3A_80[%mul3A_72] : memref<10240xf32, #tpu.memory_space<hbm>> -> memref<640xf32, #tpu.memory_space<hbm>>
      %dma_wait3A_82 = tpu.memref_slice %arg5[%mul3A_70] : memref<10240xf32, #tpu.memory_space<vmem_shared>> -> memref<640xf32, #tpu.memory_space<vmem_shared>>
      tpu.wait_dma2 semaphore(%run_scoped3A : memref<!tpu.dma_semaphore, #tpu.memory_space<semaphore_mem>>) src(%dma_wait3A_82 : memref<640xf32, #tpu.memory_space<vmem_shared>>) dst(%dma_wait3A_81 : memref<640xf32, #tpu.memory_space<hbm>>)
      tpu.yield
    }) : () -> ()
    return
  }
}

#map = affine_map<(d0, d1) -> (0, 0, 0, 0)>
#map1 = affine_map<(d0, d1) -> (0, 0)>
#map2 = affine_map<(d0, d1) -> (0, 0, 0)>
module attributes {stable_mosaic.version = 14 : i64} {
  func.func @body(%arg0: i32, %arg1: i32, %arg2: memref<2x16x160x128xi32, #tpu.memory_space<hbm>>, %arg3: memref<10000x8xf32, #tpu.memory_space<hbm>>, %arg4: memref<10240x8xf32, #tpu.memory_space<hbm>>, %arg5: memref<2x10240x8xf32, #tpu.memory_space<hbm>>, %arg6: memref<10240x8xf32, #tpu.memory_space<vmem_shared>>, %arg7: memref<160x128xi32, #tpu.memory_space<vmem>>, %arg8: memref<128x8xf32, #tpu.memory_space<vmem>>, %arg9: memref<128x8xf32, #tpu.memory_space<vmem>>, %arg10: memref<!tpu.dma_semaphore, #tpu.memory_space<semaphore_mem>>, %arg11: memref<!tpu.dma_semaphore, #tpu.memory_space<semaphore_mem>>) attributes {dimension_semantics = [#tpu.dimension_semantics<core_parallel>, #tpu.dimension_semantics<subcore_parallel>], iteration_bounds = array<i64: 2, 16>, scalar_prefetch = 0 : i64, scratch_operands = 6 : i64, tpu.core_type = #tpu.core_type<sc_vector_subcore>, window_params = [{transform_indices = #map}, {transform_indices = #map1}, {transform_indices = #map1}, {transform_indices = #map2}]} {
    %dma_start3A = arith.constant 0 : i32
    %dma_start3A_0 = arith.constant 0 : i32
    %dma_start3A_1 = tpu.memref_slice %arg2[%arg0, %arg1, %dma_start3A, %dma_start3A_0] : memref<2x16x160x128xi32, #tpu.memory_space<hbm>> -> memref<1x1x160x128xi32, #tpu.memory_space<hbm>>
    %dma_start3A_2 = tpu.memref_squeeze %dma_start3A_1 : memref<1x1x160x128xi32, #tpu.memory_space<hbm>> -> memref<160x128xi32, #tpu.memory_space<hbm>>
    %dma_start3A_3 = arith.constant 0 : i32
    %dma_start3A_4 = arith.constant 0 : i32
    %dma_start3A_5 = tpu.memref_slice %arg2[%arg0, %arg1, %dma_start3A_3, %dma_start3A_4] : memref<2x16x160x128xi32, #tpu.memory_space<hbm>> -> memref<1x1x160x128xi32, #tpu.memory_space<hbm>>
    %dma_start3A_6 = tpu.memref_squeeze %dma_start3A_5 : memref<1x1x160x128xi32, #tpu.memory_space<hbm>> -> memref<160x128xi32, #tpu.memory_space<hbm>>
    tpu.enqueue_dma source(%dma_start3A_6 : memref<160x128xi32, #tpu.memory_space<hbm>>) target(%arg7 : memref<160x128xi32, #tpu.memory_space<vmem>>) target_semaphore(%arg10 : memref<!tpu.dma_semaphore, #tpu.memory_space<semaphore_mem>>)
    %mul3A = arith.constant 640 : i32
    %mul3A_7 = arith.muli %arg1, %mul3A : i32
    %mul3A_8 = arith.constant 640 : i32
    %mul3A_9 = arith.muli %arg1, %mul3A_8 : i32
    "tpu.region"() ({
      %run_scoped3A = tpu.sem_alloc : memref<!tpu.dma_semaphore, #tpu.memory_space<semaphore_mem>>
      %dma_start3A_41 = arith.constant 0 : i32
      %dma_start3A_42 = tpu.memref_slice %arg6[%mul3A_9, %dma_start3A_41] : memref<10240x8xf32, #tpu.memory_space<vmem_shared>> -> memref<640x8xf32, #tpu.memory_space<vmem_shared>>
      %dma_start3A_43 = arith.constant 0 : i32
      %dma_start3A_44 = tpu.memref_slice %arg4[%mul3A_7, %dma_start3A_43] : memref<10240x8xf32, #tpu.memory_space<hbm>> -> memref<640x8xf32, #tpu.memory_space<hbm>>
      tpu.enqueue_dma source(%dma_start3A_44 : memref<640x8xf32, #tpu.memory_space<hbm>>) target(%dma_start3A_42 : memref<640x8xf32, #tpu.memory_space<vmem_shared>>) target_semaphore(%run_scoped3A : memref<!tpu.dma_semaphore, #tpu.memory_space<semaphore_mem>>)
      %dma_wait3A_45 = arith.constant 0 : i32
      %dma_wait3A_46 = tpu.memref_slice %arg6[%mul3A_9, %dma_wait3A_45] : memref<10240x8xf32, #tpu.memory_space<vmem_shared>> -> memref<640x8xf32, #tpu.memory_space<vmem_shared>>
      %dma_wait3A_47 = arith.constant 0 : i32
      %dma_wait3A_48 = tpu.memref_slice %arg4[%mul3A_7, %dma_wait3A_47] : memref<10240x8xf32, #tpu.memory_space<hbm>> -> memref<640x8xf32, #tpu.memory_space<hbm>>
      tpu.wait_dma2 semaphore(%run_scoped3A : memref<!tpu.dma_semaphore, #tpu.memory_space<semaphore_mem>>) src(%dma_wait3A_48 : memref<640x8xf32, #tpu.memory_space<hbm>>) dst(%dma_wait3A_46 : memref<640x8xf32, #tpu.memory_space<vmem_shared>>)
      tpu.yield
    }) : () -> ()
    %dma_wait3A = arith.constant 0 : i32
    %dma_wait3A_10 = arith.constant 0 : i32
    %dma_wait3A_11 = tpu.memref_slice %arg2[%arg0, %arg1, %dma_wait3A, %dma_wait3A_10] : memref<2x16x160x128xi32, #tpu.memory_space<hbm>> -> memref<1x1x160x128xi32, #tpu.memory_space<hbm>>
    %dma_wait3A_12 = tpu.memref_squeeze %dma_wait3A_11 : memref<1x1x160x128xi32, #tpu.memory_space<hbm>> -> memref<160x128xi32, #tpu.memory_space<hbm>>
    %dma_wait3A_13 = arith.constant 0 : i32
    %dma_wait3A_14 = arith.constant 0 : i32
    %dma_wait3A_15 = tpu.memref_slice %arg2[%arg0, %arg1, %dma_wait3A_13, %dma_wait3A_14] : memref<2x16x160x128xi32, #tpu.memory_space<hbm>> -> memref<1x1x160x128xi32, #tpu.memory_space<hbm>>
    %dma_wait3A_16 = tpu.memref_squeeze %dma_wait3A_15 : memref<1x1x160x128xi32, #tpu.memory_space<hbm>> -> memref<160x128xi32, #tpu.memory_space<hbm>>
    tpu.wait_dma2 semaphore(%arg10 : memref<!tpu.dma_semaphore, #tpu.memory_space<semaphore_mem>>) src(%dma_wait3A_16 : memref<160x128xi32, #tpu.memory_space<hbm>>) dst(%arg7 : memref<160x128xi32, #tpu.memory_space<vmem>>)
    %barrier3A = arith.constant 0 : index
    tpu.barrier barrier_id(%barrier3A)
    %dma_start3A_17 = arith.constant 0 : i32
    %dma_start3A_18 = arith.constant 0 : i32
    %dma_start3A_19 = tpu.memref_slice %arg7[%dma_start3A_17, %dma_start3A_18] : memref<160x128xi32, #tpu.memory_space<vmem>> -> memref<1x128xi32, #tpu.memory_space<vmem>>
    %dma_start3A_20 = tpu.memref_squeeze %dma_start3A_19 : memref<1x128xi32, #tpu.memory_space<vmem>> -> memref<128xi32, #tpu.memory_space<vmem>>
    %dma_start3A_21 = arith.constant 0 : i32
    %dma_start3A_22 = arith.constant 0 : i32
    %dma_start3A_23 = tpu.memref_slice %arg3[%dma_start3A_21, %dma_start3A_22] : memref<10000x8xf32, #tpu.memory_space<hbm>> -> memref<10000x8xf32, #tpu.memory_space<hbm>>
    tpu.enqueue_indirect_dma source(%dma_start3A_23 : memref<10000x8xf32, #tpu.memory_space<hbm>>) target(%arg8 : memref<128x8xf32, #tpu.memory_space<vmem>>) offsets(%dma_start3A_20 : memref<128xi32, #tpu.memory_space<vmem>>) semaphore(%arg10 : memref<!tpu.dma_semaphore, #tpu.memory_space<semaphore_mem>>)
    %scan3A = arith.constant 0 : i32
    %scan3A_24 = arith.constant 0 : i32
    %scan3A_25 = arith.constant 40 : i32
    %scan3A_26 = arith.addi %scan3A_24, %scan3A_25 : i32
    %scan3A_27 = arith.constant 1 : i32
    scf.for %scan3A_41 = %scan3A_24 to %scan3A_26 step %scan3A_27  : i32 {
      %mul3A_42 = arith.constant 4 : i32
      %mul3A_43 = arith.muli %mul3A_42, %scan3A_41 : i32
      %add3A = arith.constant 2 : i32
      %add3A_44 = arith.addi %mul3A_43, %add3A : i32
      %dma_start3A_45 = arith.constant 0 : i32
      %dma_start3A_46 = tpu.memref_slice %arg7[%add3A_44, %dma_start3A_45] : memref<160x128xi32, #tpu.memory_space<vmem>> -> memref<1x128xi32, #tpu.memory_space<vmem>>
      %dma_start3A_47 = tpu.memref_squeeze %dma_start3A_46 : memref<1x128xi32, #tpu.memory_space<vmem>> -> memref<128xi32, #tpu.memory_space<vmem>>
      %dma_start3A_48 = arith.constant 0 : i32
      %dma_start3A_49 = arith.constant 0 : i32
      %dma_start3A_50 = tpu.memref_slice %arg3[%dma_start3A_48, %dma_start3A_49] : memref<10000x8xf32, #tpu.memory_space<hbm>> -> memref<10000x8xf32, #tpu.memory_space<hbm>>
      tpu.enqueue_indirect_dma source(%dma_start3A_50 : memref<10000x8xf32, #tpu.memory_space<hbm>>) target(%arg9 : memref<128x8xf32, #tpu.memory_space<vmem>>) offsets(%dma_start3A_47 : memref<128xi32, #tpu.memory_space<vmem>>) semaphore(%arg11 : memref<!tpu.dma_semaphore, #tpu.memory_space<semaphore_mem>>)
      %dma_wait3A_51 = arith.constant 0 : i32
      %dma_wait3A_52 = arith.constant 0 : i32
      %dma_wait3A_53 = tpu.memref_slice %arg7[%dma_wait3A_51, %dma_wait3A_52] : memref<160x128xi32, #tpu.memory_space<vmem>> -> memref<1x128xi32, #tpu.memory_space<vmem>>
      %dma_wait3A_54 = tpu.memref_squeeze %dma_wait3A_53 : memref<1x128xi32, #tpu.memory_space<vmem>> -> memref<128xi32, #tpu.memory_space<vmem>>
      %dma_wait3A_55 = arith.constant 0 : i32
      %dma_wait3A_56 = arith.constant 0 : i32
      %dma_wait3A_57 = tpu.memref_slice %arg3[%dma_wait3A_55, %dma_wait3A_56] : memref<10000x8xf32, #tpu.memory_space<hbm>> -> memref<10000x8xf32, #tpu.memory_space<hbm>>
      tpu.wait_indirect_dma semaphore(%arg10 : memref<!tpu.dma_semaphore, #tpu.memory_space<semaphore_mem>>) src(%dma_wait3A_57 : memref<10000x8xf32, #tpu.memory_space<hbm>>) dst(%arg8 : memref<128x8xf32, #tpu.memory_space<vmem>>)
      %add3A_58 = arith.constant 1 : i32
      %add3A_59 = arith.addi %mul3A_43, %add3A_58 : i32
      "tpu.region"() ({
        %run_scoped3A = tpu.sem_alloc : memref<!tpu.dma_semaphore, #tpu.memory_space<semaphore_mem>>
        %dma_start3A_78 = arith.constant 0 : i32
        %dma_start3A_79 = tpu.memref_slice %arg7[%add3A_59, %dma_start3A_78] : memref<160x128xi32, #tpu.memory_space<vmem>> -> memref<1x128xi32, #tpu.memory_space<vmem>>
        %dma_start3A_80 = tpu.memref_squeeze %dma_start3A_79 : memref<1x128xi32, #tpu.memory_space<vmem>> -> memref<128xi32, #tpu.memory_space<vmem>>
        %dma_start3A_81 = arith.constant 0 : i32
        %dma_start3A_82 = arith.constant 0 : i32
        %dma_start3A_83 = tpu.memref_slice %arg6[%dma_start3A_81, %dma_start3A_82] : memref<10240x8xf32, #tpu.memory_space<vmem_shared>> -> memref<10240x8xf32, #tpu.memory_space<vmem_shared>>
        tpu.enqueue_indirect_dma source(%arg8 : memref<128x8xf32, #tpu.memory_space<vmem>>) target(%dma_start3A_83 : memref<10240x8xf32, #tpu.memory_space<vmem_shared>>) offsets(%dma_start3A_80 : memref<128xi32, #tpu.memory_space<vmem>>) semaphore(%run_scoped3A : memref<!tpu.dma_semaphore, #tpu.memory_space<semaphore_mem>>) {add = true}
        %dma_wait3A_84 = arith.constant 0 : i32
        %dma_wait3A_85 = tpu.memref_slice %arg7[%add3A_59, %dma_wait3A_84] : memref<160x128xi32, #tpu.memory_space<vmem>> -> memref<1x128xi32, #tpu.memory_space<vmem>>
        %dma_wait3A_86 = tpu.memref_squeeze %dma_wait3A_85 : memref<1x128xi32, #tpu.memory_space<vmem>> -> memref<128xi32, #tpu.memory_space<vmem>>
        %dma_wait3A_87 = arith.constant 0 : i32
        %dma_wait3A_88 = arith.constant 0 : i32
        %dma_wait3A_89 = tpu.memref_slice %arg6[%dma_wait3A_87, %dma_wait3A_88] : memref<10240x8xf32, #tpu.memory_space<vmem_shared>> -> memref<10240x8xf32, #tpu.memory_space<vmem_shared>>
        tpu.wait_indirect_dma semaphore(%run_scoped3A : memref<!tpu.dma_semaphore, #tpu.memory_space<semaphore_mem>>) src(%arg8 : memref<128x8xf32, #tpu.memory_space<vmem>>) dst(%dma_wait3A_89 : memref<10240x8xf32, #tpu.memory_space<vmem_shared>>)
        tpu.yield
      }) : () -> ()
      %add3A_60 = arith.constant 4 : i32
      %add3A_61 = arith.addi %mul3A_43, %add3A_60 : i32
      %min3A = arith.constant 158 : i32
      %min3A_62 = arith.minsi %add3A_61, %min3A : i32
      %dma_start3A_63 = arith.constant 0 : i32
      %dma_start3A_64 = tpu.memref_slice %arg7[%min3A_62, %dma_start3A_63] : memref<160x128xi32, #tpu.memory_space<vmem>> -> memref<1x128xi32, #tpu.memory_space<vmem>>
      %dma_start3A_65 = tpu.memref_squeeze %dma_start3A_64 : memref<1x128xi32, #tpu.memory_space<vmem>> -> memref<128xi32, #tpu.memory_space<vmem>>
      %dma_start3A_66 = arith.constant 0 : i32
      %dma_start3A_67 = arith.constant 0 : i32
      %dma_start3A_68 = tpu.memref_slice %arg3[%dma_start3A_66, %dma_start3A_67] : memref<10000x8xf32, #tpu.memory_space<hbm>> -> memref<10000x8xf32, #tpu.memory_space<hbm>>
      tpu.enqueue_indirect_dma source(%dma_start3A_68 : memref<10000x8xf32, #tpu.memory_space<hbm>>) target(%arg8 : memref<128x8xf32, #tpu.memory_space<vmem>>) offsets(%dma_start3A_65 : memref<128xi32, #tpu.memory_space<vmem>>) semaphore(%arg10 : memref<!tpu.dma_semaphore, #tpu.memory_space<semaphore_mem>>)
      %dma_wait3A_69 = arith.constant 0 : i32
      %dma_wait3A_70 = arith.constant 0 : i32
      %dma_wait3A_71 = tpu.memref_slice %arg7[%dma_wait3A_69, %dma_wait3A_70] : memref<160x128xi32, #tpu.memory_space<vmem>> -> memref<1x128xi32, #tpu.memory_space<vmem>>
      %dma_wait3A_72 = tpu.memref_squeeze %dma_wait3A_71 : memref<1x128xi32, #tpu.memory_space<vmem>> -> memref<128xi32, #tpu.memory_space<vmem>>
      %dma_wait3A_73 = arith.constant 0 : i32
      %dma_wait3A_74 = arith.constant 0 : i32
      %dma_wait3A_75 = tpu.memref_slice %arg3[%dma_wait3A_73, %dma_wait3A_74] : memref<10000x8xf32, #tpu.memory_space<hbm>> -> memref<10000x8xf32, #tpu.memory_space<hbm>>
      tpu.wait_indirect_dma semaphore(%arg11 : memref<!tpu.dma_semaphore, #tpu.memory_space<semaphore_mem>>) src(%dma_wait3A_75 : memref<10000x8xf32, #tpu.memory_space<hbm>>) dst(%arg9 : memref<128x8xf32, #tpu.memory_space<vmem>>)
      %add3A_76 = arith.constant 3 : i32
      %add3A_77 = arith.addi %mul3A_43, %add3A_76 : i32
      "tpu.region"() ({
        %run_scoped3A = tpu.sem_alloc : memref<!tpu.dma_semaphore, #tpu.memory_space<semaphore_mem>>
        %dma_start3A_78 = arith.constant 0 : i32
        %dma_start3A_79 = tpu.memref_slice %arg7[%add3A_77, %dma_start3A_78] : memref<160x128xi32, #tpu.memory_space<vmem>> -> memref<1x128xi32, #tpu.memory_space<vmem>>
        %dma_start3A_80 = tpu.memref_squeeze %dma_start3A_79 : memref<1x128xi32, #tpu.memory_space<vmem>> -> memref<128xi32, #tpu.memory_space<vmem>>
        %dma_start3A_81 = arith.constant 0 : i32
        %dma_start3A_82 = arith.constant 0 : i32
        %dma_start3A_83 = tpu.memref_slice %arg6[%dma_start3A_81, %dma_start3A_82] : memref<10240x8xf32, #tpu.memory_space<vmem_shared>> -> memref<10240x8xf32, #tpu.memory_space<vmem_shared>>
        tpu.enqueue_indirect_dma source(%arg9 : memref<128x8xf32, #tpu.memory_space<vmem>>) target(%dma_start3A_83 : memref<10240x8xf32, #tpu.memory_space<vmem_shared>>) offsets(%dma_start3A_80 : memref<128xi32, #tpu.memory_space<vmem>>) semaphore(%run_scoped3A : memref<!tpu.dma_semaphore, #tpu.memory_space<semaphore_mem>>) {add = true}
        %dma_wait3A_84 = arith.constant 0 : i32
        %dma_wait3A_85 = tpu.memref_slice %arg7[%add3A_77, %dma_wait3A_84] : memref<160x128xi32, #tpu.memory_space<vmem>> -> memref<1x128xi32, #tpu.memory_space<vmem>>
        %dma_wait3A_86 = tpu.memref_squeeze %dma_wait3A_85 : memref<1x128xi32, #tpu.memory_space<vmem>> -> memref<128xi32, #tpu.memory_space<vmem>>
        %dma_wait3A_87 = arith.constant 0 : i32
        %dma_wait3A_88 = arith.constant 0 : i32
        %dma_wait3A_89 = tpu.memref_slice %arg6[%dma_wait3A_87, %dma_wait3A_88] : memref<10240x8xf32, #tpu.memory_space<vmem_shared>> -> memref<10240x8xf32, #tpu.memory_space<vmem_shared>>
        tpu.wait_indirect_dma semaphore(%run_scoped3A : memref<!tpu.dma_semaphore, #tpu.memory_space<semaphore_mem>>) src(%arg9 : memref<128x8xf32, #tpu.memory_space<vmem>>) dst(%dma_wait3A_89 : memref<10240x8xf32, #tpu.memory_space<vmem_shared>>)
        tpu.yield
      }) : () -> ()
    }
    %scan3A_28 = arith.constant 40 : i32
    %dma_wait3A_29 = arith.constant 0 : i32
    %dma_wait3A_30 = arith.constant 0 : i32
    %dma_wait3A_31 = tpu.memref_slice %arg7[%dma_wait3A_29, %dma_wait3A_30] : memref<160x128xi32, #tpu.memory_space<vmem>> -> memref<1x128xi32, #tpu.memory_space<vmem>>
    %dma_wait3A_32 = tpu.memref_squeeze %dma_wait3A_31 : memref<1x128xi32, #tpu.memory_space<vmem>> -> memref<128xi32, #tpu.memory_space<vmem>>
    %dma_wait3A_33 = arith.constant 0 : i32
    %dma_wait3A_34 = arith.constant 0 : i32
    %dma_wait3A_35 = tpu.memref_slice %arg3[%dma_wait3A_33, %dma_wait3A_34] : memref<10000x8xf32, #tpu.memory_space<hbm>> -> memref<10000x8xf32, #tpu.memory_space<hbm>>
    tpu.wait_indirect_dma semaphore(%arg10 : memref<!tpu.dma_semaphore, #tpu.memory_space<semaphore_mem>>) src(%dma_wait3A_35 : memref<10000x8xf32, #tpu.memory_space<hbm>>) dst(%arg8 : memref<128x8xf32, #tpu.memory_space<vmem>>)
    %barrier3A_36 = arith.constant 0 : index
    tpu.barrier barrier_id(%barrier3A_36)
    %mul3A_37 = arith.constant 640 : i32
    %mul3A_38 = arith.muli %arg1, %mul3A_37 : i32
    %mul3A_39 = arith.constant 640 : i32
    %mul3A_40 = arith.muli %arg1, %mul3A_39 : i32
    "tpu.region"() ({
      %run_scoped3A = tpu.sem_alloc : memref<!tpu.dma_semaphore, #tpu.memory_space<semaphore_mem>>
      %dma_start3A_41 = arith.constant 0 : i32
      %dma_start3A_42 = arith.constant 0 : i32
      %dma_start3A_43 = tpu.memref_slice %arg5[%arg0, %dma_start3A_41, %dma_start3A_42] : memref<2x10240x8xf32, #tpu.memory_space<hbm>> -> memref<1x10240x8xf32, #tpu.memory_space<hbm>>
      %dma_start3A_44 = tpu.memref_squeeze %dma_start3A_43 : memref<1x10240x8xf32, #tpu.memory_space<hbm>> -> memref<10240x8xf32, #tpu.memory_space<hbm>>
      %dma_start3A_45 = arith.constant 0 : i32
      %dma_start3A_46 = tpu.memref_slice %dma_start3A_44[%mul3A_40, %dma_start3A_45] : memref<10240x8xf32, #tpu.memory_space<hbm>> -> memref<640x8xf32, #tpu.memory_space<hbm>>
      %dma_start3A_47 = arith.constant 0 : i32
      %dma_start3A_48 = tpu.memref_slice %arg6[%mul3A_38, %dma_start3A_47] : memref<10240x8xf32, #tpu.memory_space<vmem_shared>> -> memref<640x8xf32, #tpu.memory_space<vmem_shared>>
      tpu.enqueue_dma source(%dma_start3A_48 : memref<640x8xf32, #tpu.memory_space<vmem_shared>>) target(%dma_start3A_46 : memref<640x8xf32, #tpu.memory_space<hbm>>) target_semaphore(%run_scoped3A : memref<!tpu.dma_semaphore, #tpu.memory_space<semaphore_mem>>)
      %dma_wait3A_49 = arith.constant 0 : i32
      %dma_wait3A_50 = arith.constant 0 : i32
      %dma_wait3A_51 = tpu.memref_slice %arg5[%arg0, %dma_wait3A_49, %dma_wait3A_50] : memref<2x10240x8xf32, #tpu.memory_space<hbm>> -> memref<1x10240x8xf32, #tpu.memory_space<hbm>>
      %dma_wait3A_52 = tpu.memref_squeeze %dma_wait3A_51 : memref<1x10240x8xf32, #tpu.memory_space<hbm>> -> memref<10240x8xf32, #tpu.memory_space<hbm>>
      %dma_wait3A_53 = arith.constant 0 : i32
      %dma_wait3A_54 = tpu.memref_slice %dma_wait3A_52[%mul3A_40, %dma_wait3A_53] : memref<10240x8xf32, #tpu.memory_space<hbm>> -> memref<640x8xf32, #tpu.memory_space<hbm>>
      %dma_wait3A_55 = arith.constant 0 : i32
      %dma_wait3A_56 = tpu.memref_slice %arg6[%mul3A_38, %dma_wait3A_55] : memref<10240x8xf32, #tpu.memory_space<vmem_shared>> -> memref<640x8xf32, #tpu.memory_space<vmem_shared>>
      tpu.wait_dma2 semaphore(%run_scoped3A : memref<!tpu.dma_semaphore, #tpu.memory_space<semaphore_mem>>) src(%dma_wait3A_56 : memref<640x8xf32, #tpu.memory_space<vmem_shared>>) dst(%dma_wait3A_54 : memref<640x8xf32, #tpu.memory_space<hbm>>)
      tpu.yield
    }) : () -> ()
    return
  }
}

module attributes {stable_mosaic.version = 14 : i64} {
  func.func @_tc_b_body(%arg0: memref<10000x128xf32, #tpu.memory_space<vmem>>, %arg1: memref<128x16xf32, #tpu.memory_space<vmem>>, %arg2: memref<10240x2xf32, #tpu.memory_space<vmem>>, %arg3: memref<10000x16xf32, #tpu.memory_space<vmem>>, %arg4: memref<10240x1xf32, #tpu.memory_space<vmem>>) attributes {dimension_semantics = [], scalar_prefetch = 0 : i64, scratch_operands = 0 : i64, tpu.core_type = #tpu.core_type<tc>} {
    %get3A = arith.constant 0 : index
    %get3A_0 = arith.constant 0 : index
    %get3A_1 = vector.load %arg0[%get3A, %get3A_0] : memref<10000x128xf32, #tpu.memory_space<vmem>>, vector<10000x128xf32>
    %get3A_2 = arith.constant 0 : index
    %get3A_3 = arith.constant 0 : index
    %get3A_4 = vector.load %arg1[%get3A_2, %get3A_3] : memref<128x16xf32, #tpu.memory_space<vmem>>, vector<128x16xf32>
    %dot_general3A = arith.constant dense<0.000000e+00> : vector<10000x16xf32>
    %dot_general3A_5 = tpu.matmul %get3A_1, %get3A_4, %dot_general3A {dimension_numbers = #tpu.dot_dimension_numbers<[1], [0], [0], [1], [0, 0, 1, 1], [], []>, transpose_lhs_hint = false} : vector<10000x128xf32>, vector<128x16xf32>, vector<10000x16xf32> -> vector<10000x16xf32>
    %get3A_6 = arith.constant 0 : index
    %get3A_7 = arith.constant 0 : index
    %get3A_8 = vector.load %arg2[%get3A_6, %get3A_7] : memref<10240x2xf32, #tpu.memory_space<vmem>>, vector<10240x1xf32>
    %get3A_9 = arith.constant 0 : index
    %get3A_10 = arith.constant 1 : index
    %get3A_11 = vector.load %arg2[%get3A_9, %get3A_10] : memref<10240x2xf32, #tpu.memory_space<vmem>>, vector<10240x1xf32>
    %add3A = arith.addf %get3A_8, %get3A_11 : vector<10240x1xf32>
    %add3A_12 = arith.constant 1.000000e+00 : f32
    %add3A_13 = vector.broadcast %add3A_12 : f32 to vector<10240x1xf32>
    %add3A_14 = arith.addf %add3A, %add3A_13 : vector<10240x1xf32>
    %rsqrt3A = math.rsqrt %add3A_14 : vector<10240x1xf32>
    %swap3A = arith.constant 0 : index
    %swap3A_15 = arith.constant 0 : index
    %swap3A_16 = vector.load %arg4[%swap3A, %swap3A_15] : memref<10240x1xf32, #tpu.memory_space<vmem>>, vector<10240x1xf32>
    tpu.vector_store %arg4[%swap3A, %swap3A_15], %rsqrt3A {strides = array<i32>} : memref<10240x1xf32, #tpu.memory_space<vmem>>, vector<10240x1xf32>,
    %slice3A = vector.extract_strided_slice %rsqrt3A {offsets = [0, 0], sizes = [10000, 1], strides = [1, 1]} : vector<10240x1xf32> to vector<10000x1xf32>
    %mul3A = vector.broadcast %slice3A : vector<10000x1xf32> to vector<10000x16xf32>
    %mul3A_17 = arith.mulf %dot_general3A_5, %mul3A : vector<10000x16xf32>
    %swap3A_18 = arith.constant 0 : index
    %swap3A_19 = arith.constant 0 : index
    %swap3A_20 = vector.load %arg3[%swap3A_18, %swap3A_19] : memref<10000x16xf32, #tpu.memory_space<vmem>>, vector<10000x16xf32>
    tpu.vector_store %arg3[%swap3A_18, %swap3A_19], %mul3A_17 {strides = array<i32>} : memref<10000x16xf32, #tpu.memory_space<vmem>>, vector<10000x16xf32>,
    return
  }
}

module attributes {stable_mosaic.version = 14 : i64} {
  func.func @_tc_d_body(%arg0: memref<2x10240x16xf32, #tpu.memory_space<vmem>>, %arg1: memref<10000x16xf32, #tpu.memory_space<vmem>>, %arg2: memref<10240x1xf32, #tpu.memory_space<vmem>>, %arg3: memref<1x16xf32, #tpu.memory_space<vmem>>, %arg4: memref<16x8xf32, #tpu.memory_space<vmem>>, %arg5: memref<10000x8xf32, #tpu.memory_space<vmem>>) attributes {dimension_semantics = [], scalar_prefetch = 0 : i64, scratch_operands = 0 : i64, tpu.core_type = #tpu.core_type<tc>} {
    %get3A = arith.constant 0 : index
    %get3A_0 = arith.constant 0 : index
    %get3A_1 = arith.constant 0 : index
    %get3A_2 = vector.load %arg0[%get3A, %get3A_0, %get3A_1] : memref<2x10240x16xf32, #tpu.memory_space<vmem>>, vector<1x10000x16xf32>
    %get3A_3 = vector.shape_cast %get3A_2 : vector<1x10000x16xf32> to vector<10000x16xf32>
    %get3A_4 = arith.constant 1 : index
    %get3A_5 = arith.constant 0 : index
    %get3A_6 = arith.constant 0 : index
    %get3A_7 = vector.load %arg0[%get3A_4, %get3A_5, %get3A_6] : memref<2x10240x16xf32, #tpu.memory_space<vmem>>, vector<1x10000x16xf32>
    %get3A_8 = vector.shape_cast %get3A_7 : vector<1x10000x16xf32> to vector<10000x16xf32>
    %add3A = arith.addf %get3A_3, %get3A_8 : vector<10000x16xf32>
    %get3A_9 = arith.constant 0 : index
    %get3A_10 = arith.constant 0 : index
    %get3A_11 = vector.load %arg2[%get3A_9, %get3A_10] : memref<10240x1xf32, #tpu.memory_space<vmem>>, vector<10000x1xf32>
    %get3A_12 = arith.constant 0 : index
    %get3A_13 = arith.constant 0 : index
    %get3A_14 = vector.load %arg1[%get3A_12, %get3A_13] : memref<10000x16xf32, #tpu.memory_space<vmem>>, vector<10000x16xf32>
    %add3A_15 = arith.addf %add3A, %get3A_14 : vector<10000x16xf32>
    %mul3A = vector.broadcast %get3A_11 : vector<10000x1xf32> to vector<10000x16xf32>
    %mul3A_16 = arith.mulf %add3A_15, %mul3A : vector<10000x16xf32>
    %get3A_17 = arith.constant 0 : index
    %get3A_18 = arith.constant 0 : index
    %get3A_19 = vector.load %arg3[%get3A_17, %get3A_18] : memref<1x16xf32, #tpu.memory_space<vmem>>, vector<1x16xf32>
    %add3A_20 = vector.broadcast %get3A_19 : vector<1x16xf32> to vector<10000x16xf32>
    %add3A_21 = arith.addf %mul3A_16, %add3A_20 : vector<10000x16xf32>
    %max3A = arith.constant 0.000000e+00 : f32
    %max3A_22 = vector.broadcast %max3A : f32 to vector<10000x16xf32>
    %max3A_23 = arith.maximumf %add3A_21, %max3A_22 : vector<10000x16xf32>
    %mul3A_24 = vector.broadcast %get3A_11 : vector<10000x1xf32> to vector<10000x16xf32>
    %mul3A_25 = arith.mulf %max3A_23, %mul3A_24 : vector<10000x16xf32>
    %get3A_26 = arith.constant 0 : index
    %get3A_27 = arith.constant 0 : index
    %get3A_28 = vector.load %arg4[%get3A_26, %get3A_27] : memref<16x8xf32, #tpu.memory_space<vmem>>, vector<16x8xf32>
    %dot_general3A = arith.constant dense<0.000000e+00> : vector<10000x8xf32>
    %dot_general3A_29 = tpu.matmul %mul3A_25, %get3A_28, %dot_general3A {dimension_numbers = #tpu.dot_dimension_numbers<[1], [0], [0], [1], [0, 0, 1, 1], [], []>, transpose_lhs_hint = false} : vector<10000x16xf32>, vector<16x8xf32>, vector<10000x8xf32> -> vector<10000x8xf32>
    %swap3A = arith.constant 0 : index
    %swap3A_30 = arith.constant 0 : index
    %swap3A_31 = vector.load %arg5[%swap3A, %swap3A_30] : memref<10000x8xf32, #tpu.memory_space<vmem>>, vector<10000x8xf32>
    tpu.vector_store %arg5[%swap3A, %swap3A_30], %dot_general3A_29 {strides = array<i32>} : memref<10000x8xf32, #tpu.memory_space<vmem>>, vector<10000x8xf32>,
    return
  }
}

module attributes {stable_mosaic.version = 14 : i64} {
  func.func @_tc_f_body(%arg0: memref<2x10240x8xf32, #tpu.memory_space<vmem>>, %arg1: memref<10000x8xf32, #tpu.memory_space<vmem>>, %arg2: memref<10240x1xf32, #tpu.memory_space<vmem>>, %arg3: memref<1x2xf32, #tpu.memory_space<vmem>>, %arg4: memref<10000x2xf32, #tpu.memory_space<vmem>>) attributes {dimension_semantics = [], scalar_prefetch = 0 : i64, scratch_operands = 0 : i64, tpu.core_type = #tpu.core_type<tc>} {
    %get3A = arith.constant 0 : index
    %get3A_0 = arith.constant 0 : index
    %get3A_1 = arith.constant 0 : index
    %get3A_2 = vector.load %arg0[%get3A, %get3A_0, %get3A_1] : memref<2x10240x8xf32, #tpu.memory_space<vmem>>, vector<1x10000x8xf32>
    %get3A_3 = vector.shape_cast %get3A_2 : vector<1x10000x8xf32> to vector<10000x8xf32>
    %get3A_4 = arith.constant 1 : index
    %get3A_5 = arith.constant 0 : index
    %get3A_6 = arith.constant 0 : index
    %get3A_7 = vector.load %arg0[%get3A_4, %get3A_5, %get3A_6] : memref<2x10240x8xf32, #tpu.memory_space<vmem>>, vector<1x10000x8xf32>
    %get3A_8 = vector.shape_cast %get3A_7 : vector<1x10000x8xf32> to vector<10000x8xf32>
    %add3A = arith.addf %get3A_3, %get3A_8 : vector<10000x8xf32>
    %get3A_9 = arith.constant 0 : index
    %get3A_10 = arith.constant 0 : index
    %get3A_11 = vector.load %arg1[%get3A_9, %get3A_10] : memref<10000x8xf32, #tpu.memory_space<vmem>>, vector<10000x8xf32>
    %add3A_12 = arith.addf %add3A, %get3A_11 : vector<10000x8xf32>
    %get3A_13 = arith.constant 0 : index
    %get3A_14 = arith.constant 0 : index
    %get3A_15 = vector.load %arg2[%get3A_13, %get3A_14] : memref<10240x1xf32, #tpu.memory_space<vmem>>, vector<10000x1xf32>
    %mul3A = vector.broadcast %get3A_15 : vector<10000x1xf32> to vector<10000x8xf32>
    %mul3A_16 = arith.mulf %add3A_12, %mul3A : vector<10000x8xf32>
    %slice3A = vector.extract_strided_slice %mul3A_16 {offsets = [0, 0], sizes = [10000, 2], strides = [1, 1]} : vector<10000x8xf32> to vector<10000x2xf32>
    %get3A_17 = arith.constant 0 : index
    %get3A_18 = arith.constant 0 : index
    %get3A_19 = vector.load %arg3[%get3A_17, %get3A_18] : memref<1x2xf32, #tpu.memory_space<vmem>>, vector<1x2xf32>
    %add3A_20 = vector.broadcast %get3A_19 : vector<1x2xf32> to vector<10000x2xf32>
    %add3A_21 = arith.addf %slice3A, %add3A_20 : vector<10000x2xf32>
    %reduce_max3A = arith.constant dense<0xFF800000> : vector<10000xf32>
    %reduce_max3A_22 = vector.multi_reduction <maximumf>, %add3A_21, %reduce_max3A [1] : vector<10000x2xf32> to vector<10000xf32>
    %broadcast_in_dim3A = vector.shape_cast %reduce_max3A_22 : vector<10000xf32> to vector<10000x1xf32>
    %sub3A = vector.broadcast %broadcast_in_dim3A : vector<10000x1xf32> to vector<10000x2xf32>
    %sub3A_23 = arith.subf %add3A_21, %sub3A : vector<10000x2xf32>
    %exp3A = math.exp %sub3A_23 : vector<10000x2xf32>
    %reduce_sum3A = arith.constant dense<0.000000e+00> : vector<10000xf32>
    %reduce_sum3A_24 = vector.multi_reduction <add>, %exp3A, %reduce_sum3A [1] : vector<10000x2xf32> to vector<10000xf32>
    %broadcast_in_dim3A_25 = vector.shape_cast %reduce_sum3A_24 : vector<10000xf32> to vector<10000x1xf32>
    %log3A = math.log %broadcast_in_dim3A_25 : vector<10000x1xf32>
    %add3A_26 = arith.addf %broadcast_in_dim3A, %log3A : vector<10000x1xf32>
    %sub3A_27 = vector.broadcast %add3A_26 : vector<10000x1xf32> to vector<10000x2xf32>
    %sub3A_28 = arith.subf %add3A_21, %sub3A_27 : vector<10000x2xf32>
    %swap3A = arith.constant 0 : index
    %swap3A_29 = arith.constant 0 : index
    %swap3A_30 = vector.load %arg4[%swap3A, %swap3A_29] : memref<10000x2xf32, #tpu.memory_space<vmem>>, vector<10000x2xf32>
    tpu.vector_store %arg4[%swap3A, %swap3A_29], %sub3A_28 {strides = array<i32>} : memref<10000x2xf32, #tpu.memory_space<vmem>>, vector<10000x2xf32>,
    return
  }
}

</mosaic_0001>

<sc_bundles>
// kernel: kernel.11.cloned.1.call-start
scs
__scs_entry_jumppad:
0x0: {  	(pc) =	sbr.rel $0x88, $3  }
0x1: {  	(tag) =	ssettag $0x0;
	lr =	simm.s32 $0x1  }
0x2: {  	[smem:$0x3F9B] =	sst lr;
	_ =	strace $0xD0000000  }
0x3: {  	_ = 	snop  }
0x4: {  	_ = 	snop  }
0x5: {  	_ = 	snop  }
0x6: {  	_ = 	snop  }
0x7: {  	_ = 	snop  }
__scs_overlays_trampoline_lowered:
0x8: {  	[smem:$0x3FAA] =	sst s0  }
0x9: {  	[smem:$0x3FAB] =	sst s1  }
0xa: {  	[smem:$0x3FAC] =	sst s2  }
0xb: {  	[smem:$0x3FAD] =	sst s3  }
0xc: {  	[smem:$0x3FAE] =	sst s4  }
0xd: {  	[smem:$0x3FAF] =	sst s5  }
0xe: {  	[smem:$0x3FB0] =	sst s6  }
0xf: {  	[smem:$0x3FB1] =	sst s7  }
0x10: {  	[smem:$0x3FB2] =	sst s8  }
0x11: {  	[smem:$0x3FB3] =	sst s9;
	s0 =	simm.s32 @!p0 $0x0  }
0x12: {  	s1 =	sld [smem:$0x3F99];
	s0 =	simm.s32 @p0 $0x1  }
0x13: {  	[smem:$0x3FB4] =	sst s0;
	s0 =	simm.s32 @!p1 $0x0  }
0x14: {  	s2 =	sld [smem:$0x3F98];
	s0 =	simm.s32 @p1 $0x1  }
0x15: {  	[smem:$0x3FB5] =	sst s0;
	s0 =	simm.s32 @!p2 $0x0  }
0x16: {  	s3 =	sld [smem:$0x3FDB];
	s0 =	simm.s32 @p2 $0x1  }
0x17: {  	s4 =	simm.s32 $0x1BF5;
	[smem:$0x3FB7] =	sst s0  }
0x18: {  	s0 =	sld [smem:$0x3F9A];
	_ =	swait.ge [sflag:s4], $0x0  }
0x19: {  	s7 =	sld [smem:$0x3F9B]  }
0x1a: {  	s8 =	sadd.s32 $0xFFFFE003, lr  }
0x1b: {  	s9 =	sadd.s32 $0xFFFFFEF7, lr;
	s5 =	simm.s32 $0xFFFFFFFF;
	p2 =	slt.u32 s8, $0xFFFFF086  }
0x1c: {  	p1 =	slt.u32 s9, $0xF7A;
	s5 =	simm.s32 @!p2 $0x0  }
0x1d: {  	s5 =	simm.s32 @p1 $0x1;
	p0 =	seq.s32 s7, s2  }
0x1e: {  	s7 =	smul.u32 @!p0 $0xF7A, s2;
	p2 =	seq.s32 @!p0 s5, $0x0  }
0x1f: {  	s9 =	smul.u32 $0xF7A, s1;
	s8 =	simm.s32 @!p0 $0x1BF5;
	p2 =	por !p2, p0  }
0x20: {  	[sflag:s8] =	ssyncset.s32 @!p0 $0xFFFFF086;
	s6 =	sadd.s32 @!p0 s3, s7;
	s7 =	simm.s32 @!p0 $0x108  }
0x21: {  	s3 =	sadd.s32 s3, s9;
	s6 =	sadd.s32 @!p0 $0x88, s6;
	s7 =	simm.s32 @p2 $0x1082  }
0x22: {  	[simem:s7], [sflag:s8] =	dma.local @!p0 [hbm:s6], $0xF7A  }
0x23: {  	s9 =	sor.u32 $0xD0000000, s2;
	s6 =	simm.s32 $0x108;
	_ =	swait.ge @!p0 [sflag:s8], $0x0  }
0x24: {  	s3 =	sadd.s32 $0x88, s3;
	s6 =	simm.s32 @!p1 $0x1082;
	[sflag:s4] =	ssyncset.s32 $0xFFFFF086  }
0x25: {  	[simem:s6], [sflag:s4] =	dma.local [hbm:s3], $0xF7A  }
0x26: {  	[smem:$0x3F9B] =	sst s1;
	(tag) =	ssettag s2;
	_ =	strace s9  }
0x27: {  	s1 =	sld [smem:$0x3FAB]  }
0x28: {  	s2 =	sld [smem:$0x3FAC]  }
0x29: {  	s4 =	sld [smem:$0x3FAE]  }
0x2a: {  	p0 =	seq.s32 s5, $0x0;
	s5 =	sld [smem:$0x3FAF]  }
0x2b: {  	s6 =	sld [smem:$0x3FB0]  }
0x2c: {  	s7 =	sld [smem:$0x3FB1]  }
0x2d: {  	s3 =	simm.s32 $0x108;
	s8 =	sld [smem:$0x3FB2]  }
0x2e: {  	s3 =	simm.s32 @!p0 $0x1082;
	s9 =	sld [smem:$0x3FB3]  }
0x2f: {  	lr =	sadd.s32 s0, s3;
	s0 =	sld [smem:$0x3FAA]  }
0x30: {  	s3 =	sld [smem:$0x3FAD]  }
0x31: {  	[smem:$0x3FB6] =	sst s10  }
0x32: {  	s10 =	sld [smem:$0x3FB4];
	_ =	sdelay $0x3  }
0x33: {  	p0 =	seq.s32 s10, $0x1;
	s10 =	sld [smem:$0x3FB6];
	_ =	sdelay $0x3  }
0x34: {  	[smem:$0x3FB6] =	sst s10  }
0x35: {  	s10 =	sld [smem:$0x3FB5];
	_ =	sdelay $0x3  }
0x36: {  	p1 =	seq.s32 s10, $0x1;
	s10 =	sld [smem:$0x3FB6];
	_ =	sdelay $0x3  }
0x37: {  	[smem:$0x3FB6] =	sst s10  }
0x38: {  	s10 =	sld [smem:$0x3FB7]  }
0x39: {  	_ = 	snop;
	(pc) =	sbr.ind lr, $3  }
0x3a: {  	_ = 	snop  }
0x3b: {  	_ = 	snop  }
0x3c: {  	p2 =	seq.s32 s10, $0x1;
	s10 =	sld [smem:$0x3FB6]  }
0x3d: {  	_ =	shalt  }
0x3e: {  	_ =	shalt  }
0x3f: {  	_ =	shalt  }
0x40: {  	_ =	shalt  }
0x41: {  	_ =	shalt  }
0x42: {  	_ =	shalt  }
0x43: {  	_ =	shalt  }
0x44: {  	_ =	shalt  }
0x45: {  	_ =	shalt  }
0x46: {  	_ =	shalt  }
0x47: {  	_ =	shalt  }
0x48: {  	_ =	shalt  }
0x49: {  	_ =	shalt  }
0x4a: {  	_ =	shalt  }
0x4b: {  	_ =	shalt  }
0x4c: {  	_ =	shalt  }
0x4d: {  	_ =	shalt  }
0x4e: {  	_ =	shalt  }
0x4f: {  	_ =	shalt  }
0x50: {  	_ =	shalt  }
0x51: {  	_ =	shalt  }
0x52: {  	_ =	shalt  }
0x53: {  	_ =	shalt  }
0x54: {  	_ =	shalt  }
0x55: {  	_ =	shalt  }
0x56: {  	_ =	shalt  }
0x57: {  	_ =	shalt  }
0x58: {  	_ =	shalt  }
0x59: {  	_ =	shalt  }
0x5a: {  	_ =	shalt  }
0x5b: {  	_ =	shalt  }
0x5c: {  	_ =	shalt  }
0x5d: {  	_ =	shalt  }
0x5e: {  	_ =	shalt  }
0x5f: {  	_ =	shalt  }
0x60: {  	_ =	shalt  }
0x61: {  	_ =	shalt  }
0x62: {  	_ =	shalt  }
0x63: {  	_ =	shalt  }
0x64: {  	_ =	shalt  }
0x65: {  	_ =	shalt  }
0x66: {  	_ =	shalt  }
0x67: {  	_ =	shalt  }
0x68: {  	_ =	shalt  }
0x69: {  	_ =	shalt  }
0x6a: {  	_ =	shalt  }
0x6b: {  	_ =	shalt  }
0x6c: {  	_ =	shalt  }
0x6d: {  	_ =	shalt  }
0x6e: {  	_ =	shalt  }
0x6f: {  	_ =	shalt  }
0x70: {  	_ =	shalt  }
0x71: {  	_ =	shalt  }
0x72: {  	_ =	shalt  }
0x73: {  	_ =	shalt  }
0x74: {  	_ =	shalt  }
0x75: {  	_ =	shalt  }
0x76: {  	_ =	shalt  }
0x77: {  	_ =	shalt  }
0x78: {  	_ =	shalt  }
0x79: {  	_ =	shalt  }
0x7a: {  	_ =	shalt  }
0x7b: {  	_ =	shalt  }
0x7c: {  	_ =	shalt  }
0x7d: {  	_ =	shalt  }
0x7e: {  	_ =	shalt  }
0x7f: {  	_ =	shalt  }
0x80: {  	_ =	shalt  }
0x81: {  	_ =	shalt  }
0x82: {  	_ =	shalt  }
0x83: {  	_ =	shalt  }
0x84: {  	_ =	shalt  }
0x85: {  	_ =	shalt  }
0x86: {  	_ =	shalt  }
0x87: {  	_ =	shalt  }
.Lfunc_end0:
.L_simem_size_0:
called_computation.1_lowered:
.L_overlay_start_0:
0x88: {  	s2 =	sld [smem:$0x3FD9]  }
0x89: {  	s3 =	sld [smem:$0x3FFE];
	_ =	sdelay $0x1  }
0x8a: {  	s1 =	srdreg.scid  }
0x8b: {  	s0 =	sand.u32 $0x1, s1  }
0x8c: {  	s16 =	sshll.u32 s0, $0xA;
	s2 =	sadd.s32 s3, s2  }
0x8d: {  	s2 =	sadd.s32 s2, s16  }
0x8e: {  	[smem:$0x3FC2] =	sst s2  }
0x8f: {  	_ = 	snop  }
0x90: {  	(tm) =	ssettm $0x1  }
0x91: {  	s17 =	sld [smem:$0x3FFB];
	_ =	sdelay $0x3  }
0x92: {  	_ =	strace s17  }
0x93: {  	s2 =	sld [smem:$0x3FFC];
	_ =	sdelay $0x3  }
0x94: {  	_ =	strace s2  }
0x95: {  	s2 =	sld [smem:$0x3FFD];
	_ =	sdelay $0x3  }
0x96: {  	_ =	strace s2  }
0x97: {  	_ =	strace $0x8FFFFFFF  }
0x98: {  	s18 =	sld [smem:$0x3FDB];
	_ =	sdelay $0x1  }
0x99: {  	s19 =	simm.s32 $_scs_section_size  }
0x9a: {  	s4 =	simm.s32 $_size__tile_overlayer_lowered;
	s5 =	simm.s32 $_tile_overlayer_lowered  }
0x9b: {  	s22 =	simm.s32 $0x1BFF;
	s21 =	sshll.u32 s5, $0x1;
	s2 =	sadd.s32 s19, s18  }
0x9c: {  	s6 =	simm.s32 $0x0;
	s20 =	sshll.u32 s4, $0x1;
	s4 =	sadd.s32 s21, s2  }
0x9d: {  	[timem:s6], [sflag:s22] =	dma.local [hbm:s4], s20  }
0x9e: {  	_ =	swait.ge [sflag:s22], s20  }
0x9f: {  	s3 =	ssub.s32 $0x0, s20;
	[sflag:s22] =	ssyncset.done $0x0  }
0xa0: {  	[sflag:s22] =	ssyncadd.s32 s3;
	_ =	sdelay $0x1  }
0xa1: {  	s23 =	simm.s32 $0x1B8B  }
0xa2: {  	_ =	swait.ge [sflag:s23], $0x1  }
0xa3: {  	[sflag:s23] =	ssyncset.done $0x0  }
0xa4: {  	s25 =	simm.s32 $0x1B8E;
	s24 =	sld [smem:$0x3FFE];
	[sflag:s23] =	ssyncadd.s32 $0xFFFFFFFF  }
0xa5: {  	s26 =	simm.s32 $execute0_lowered;
	[smem:$0x3FD2] =	sst s25  }
0xa6: {  	s4 =	sshll.u32 s26, $0x1;
	_ =	strace $0x80000049;
	[dreg:$0x1] =	wrdreg $0xFFFFFFFF  }
0xa7: {  	s28 =	simm.s32 $_size_execute0_lowered;
	s2 =	sadd.s32 s2, s4;
	[dreg:$0x0] =	wrdreg $0x0  }
0xa8: {  	s4 =	sshll.u32 s28, $0x1;
	[dreg:$0x2] =	wrdreg s2  }
0xa9: {  	[dreg:$0x3] =	wrdreg s4  }
0xaa: {  	[dreg:$0x4] =	wrdreg $0xC0  }
0xab: {  	_ =	task [dreg:s6], $0x5FFFF  }
0xac: {  	[dreg:$0x1] =	wrdreg $0xFFFFFFFF  }
0xad: {  	[dreg:$0x0] =	wrdreg $0x60  }
0xae: {  	[dreg:$0x2] =	wrdreg s24  }
0xaf: {  	[dreg:$0x3] =	wrdreg $0x0  }
0xb0: {  	[dreg:$0x4] =	wrdreg $0x9  }
0xb1: {  	_ =	task.clear_ibuf [dreg:s6], $0x5FFFF;
	_ =	strace $0x90000049  }
0xb2: {  	s29 =	simm.s32 $0x9;
	_ =	strace $0x8000004B  }
0xb3: {  	_ =	swait.ge [sflag:s29], $0x1  }
0xb4: {  	[sflag:s29] =	ssyncadd.s32 $0xFFFFFFFF  }
0xb5: {  	_ =	strace $0x9000004B  }
0xb6: {  	_ =	sfence  }
0xb7: {  	s30 =	sld [smem:$0x0];
	_ =	sdelay $0x2  }
0xb8: {  	s31 =	sshll.u32 s1, $0xD;
	s1 =	sshrl.u32 s1, $0x2  }
0xb9: {  	s3 =	sand.u32 $0x4000, s31;
	s1 =	sadd.s32 s1, s30  }
0xba: {  	s0 =	sor.u32 s3, s0;
	s1 =	sshll.u32 s1, $0x11  }
0xbb: {  	s0 =	sor.u32 s1, s0  }
0xbc: {  	s0 =	sadd.s32 $0x8F2B, s0  }
0xbd: {  	[sflag:s0] =	ssyncadd.remote.s32 $0x1  }
0xbe: {  	_ =	sfence.sel $0xFFFF  }
0xbf: {  	[dreg:$0x0] =	wrdreg $0xFFFFFFFF;
	(pc) =	sbr.abs _section_cstart, $3  }
0xc0: {  	[dreg:$0x1] =	wrdreg $0xFFFFFFFF  }
0xc1: {  	_ =	task.clear_ibuf [dreg:s6], $0x2FFFF;
	_ =	strace $0x9FFFFFFF  }
0xc2: {  	(tm) =	ssettm $0x7FFFFFFF  }
0xc3: {  	_ =	shalt  }
tec
execute0_lowered:
.L_overlay_start_1:
0x0: {  	(tag) =	ssettag $0x1  }
0x1: {  	s6 =	rddreg [dreg:$0x0]  }
0x2: {  	s2 =	rddreg [dreg:$0x1]  }
0x3: {  	s0 =	srdreg.scid;
	s1 =	rddreg [dreg:$0x2]  }
0x4: {  	s3 =	simm.s32 $0x0;
	s13 =	simm.s32 $0x80;
	s14 =	simm.s32 $0x7800  }
0x5: {  	s15 =	simm.s32 $0x8000;
	s16 =	simm.s32 $0x2;
	s5 =	sand.u32 $0x1, s0  }
0x6: {  	s17 =	simm.s32 $0x7700;
	s0 =	stileid.u32;
	s4 =	smul.u32 $0x50000, s5  }
0x7: {  	s18 =	simm.s32 $0x7680;
	[smem:$0x7FF] =	sst s3;
	s7 =	smul.u32 $0x5000, s0  }
0x8: {  	s19 =	simm.s32 $0x7780;
	s29 =	smul.u32 $0x2800, s0;
	_ =	strace $0x8000004A  }
0x9: {  	s9 =	smul.u32 $0x5000, s5;
	s5 =	ssub.s32 $0x2, s5;
	s31 =	sshll.u32 s0, $0x6  }
0xa: {  	s30 =	sshrl.u32 s5, $0x1;
	s4 =	sadd.s32 s7, s4;
	s20 =	sshrl.u32 s29, $0x3  }
0xb: {  	s9 =	sadd.s32 s9, s6;
	s11 =	ssub.s32 s5, s30;
	s12 =	sadd.s32 s29, s2  }
0xc: {  	s7 =	sor.u32 $0x1C03, s31;
	s4 =	sshrl.u32 s4, $0x3;
	s10 =	sadd.s32 s20, s6  }
0xd: {  	s21 =	sadd.s32 $0x1F000, s9;
	s9 =	simm.s32 $0x2800;
	s8 =	sadd.s32 s4, s6  }
0xe: {  	s4 =	sadd.s32 $0x15000, s6;
	s6 =	sadd.s32 $0x1A000, s10;
	s10 =	sshrl.u32 s12, $0x3  }
0xf: {  	s12 =	simm.s32 $0x1;
	s20 =	sadd.s32 s20, s21;
	s21 =	simm.s32 $0x0  }
0x10: {  	s5 =	sadd.s32 $0x1000, s8;
	s8 =	smax.u32 s11, $0x1;
	s11 =	simm.s32 $0x3  }
.LBB2_1:
0x11: {  	[tilespmem:s9], [sflag:$0x1] =	stream.linear.gather [hbm4b:s5+s3], $0x5000, $0x38;
	[tilespmem:$0x8800] =	vst v63  }
0x12: {  	[spmem:s10], [sflag:s7] =	dma.local [hbm:s6], $0x500  }
0x13: {  	_ =	swait.ge [sflag:s11], $0x500  }
0x14: {  	[sflag:s11] =	ssyncset.done $0x0  }
0x15: {  	[sflag:s11] =	ssyncadd.s32 $0xFFFFFB00  }
0x16: {  	_ =	swait.ge [sflag:s12], $0x5000  }
0x17: {  	[sflag:s12] =	ssyncset.done $0x0  }
0x18: {  	[sflag:s12] =	ssyncadd.s32 $0xFFFFB000  }
0x19: {  	[bflag:$0x0] =	sbarrier.arrive $0xFFFF  }
0x1a: {  	[tilespmem:s14], [sflag:$0x1] =	stream.indirect.gather [hbm4b:s4+s13], $0x10, s9, s13, $0xb8;
	[tilespmem:$0x8800] =	vst v63  }
0x1b: {  	s22 =	simm.s32 $0x2900  }
0x1c: {  	[tilespmem:s15], [sflag:$0x2] =	stream.indirect.gather [hbm4b:s4+s13], $0x10, s22, s13, $0xb8;
	[tilespmem:$0x8800] =	vst v63  }
0x1d: {  	_ =	swait.ge [sflag:s12], $0x800  }
0x1e: {  	[sflag:s12] =	ssyncset.done $0x0  }
0x1f: {  	s29 =	simm.s32 $0x2880;
	[sflag:s12] =	ssyncadd.s32 $0xFFFFF800  }
0x20: {  	[spmem:s2] =	stream.indirect.scatter.add.f32 [tilespmem:s14], [sflag:$0x3], $0x10, s29, s13, $0xb8;
	[tilespmem:$0x8800] =	vst v63  }
0x21: {  	_ =	swait.ge [sflag:s11], $0x800  }
0x22: {  	[sflag:s11] =	ssyncset.done $0x0  }
0x23: {  	s30 =	simm.s32 $0x2A00;
	[sflag:s11] =	ssyncadd.s32 $0xFFFFF800  }
0x24: {  	[tilespmem:s14], [sflag:$0x1] =	stream.indirect.gather [hbm4b:s4+s13], $0x10, s30, s13, $0xb8;
	[tilespmem:$0x8800] =	vst v63  }
0x25: {  	_ =	swait.ge [sflag:s16], $0x800  }
0x26: {  	[sflag:s16] =	ssyncset.done $0x0  }
0x27: {  	s31 =	simm.s32 $0x2980;
	[sflag:s16] =	ssyncadd.s32 $0xFFFFF800  }
0x28: {  	[spmem:s2] =	stream.indirect.scatter.add.f32 [tilespmem:s15], [sflag:$0x3], $0x10, s31, s13, $0xb8;
	[tilespmem:$0x8800] =	vst v63  }
0x29: {  	_ =	swait.ge [sflag:s11], $0x800  }
0x2a: {  	s23 =	simm.s32 $0xFFFED800;
	s22 =	simm.s32 $0xFFFFB400;
	[sflag:s11] =	ssyncset.done $0x0  }
.LBB2_2:
0x2b: {  	s24 =	sadd.s32 $0x7700, s22  }
0x2c: {  	[sflag:s11] =	ssyncadd.s32 $0xFFFFF800;
	s25 =	smov.u32 s23;
	s26 =	sadd.s32 $0x800, s23  }
0x2d: {  	[tilespmem:s15], [sflag:$0x2] =	stream.indirect.gather [hbm4b:s4+s13], $0x10, s24, s13, $0xb8;
	[tilespmem:$0x8800] =	vst v63  }
0x2e: {  	p0 =	sne.s32 s23, $0xFFFFF800;
	_ =	swait.ge [sflag:s12], $0x800  }
0x2f: {  	[sflag:s12] =	ssyncset.done $0x0  }
0x30: {  	s23 =	sadd.s32 $0x7680, s22;
	[sflag:s12] =	ssyncadd.s32 $0xFFFFF800  }
0x31: {  	[spmem:s2] =	stream.indirect.scatter.add.f32 [tilespmem:s14], [sflag:$0x3], $0x10, s23, s13, $0xb8;
	[tilespmem:$0x8800] =	vst v63  }
0x32: {  	_ =	swait.ge [sflag:s11], $0x800  }
0x33: {  	[sflag:s11] =	ssyncset.done $0x0  }
0x34: {  	s23 =	sadd.s32 $0x7800, s22;
	[sflag:s11] =	ssyncadd.s32 $0xFFFFF800  }
0x35: {  	[tilespmem:s14], [sflag:$0x1] =	stream.indirect.gather [hbm4b:s4+s13], $0x10, s23, s13, $0xb8;
	[tilespmem:$0x8800] =	vst v63  }
0x36: {  	_ =	swait.ge [sflag:s16], $0x800  }
.Ltmp0:
0x37: {  	[sflag:s16] =	ssyncset.done $0x0;
	(pc) =	sbr.rel @p0 .LBB2_2-.Ltmp0, $4  }
0x38: {  	s22 =	sadd.s32 $0x7780, s22;
	[sflag:s16] =	ssyncadd.s32 $0xFFFFF800  }
0x39: {  	[spmem:s2] =	stream.indirect.scatter.add.f32 [tilespmem:s15], [sflag:$0x3], $0x10, s22, s13, $0xb8;
	[tilespmem:$0x8800] =	vst v63  }
0x3a: {  	_ =	swait.ge [sflag:s11], $0x800  }
0x3b: {  	s23 =	smov.u32 s26;
	s22 =	sshra.s32 s25, $0x2;
	[sflag:s11] =	ssyncset.done $0x0  }
0x3c: {  	s23 =	sadd.s32 $0x7700, s22;
	[sflag:s11] =	ssyncadd.s32 $0xFFFFF800  }
0x3d: {  	[tilespmem:s15], [sflag:$0x2] =	stream.indirect.gather [hbm4b:s4+s13], $0x10, s23, s13, $0xb8;
	[tilespmem:$0x8800] =	vst v63  }
0x3e: {  	_ =	swait.ge [sflag:s12], $0x800  }
0x3f: {  	[sflag:s12] =	ssyncset.done $0x0  }
0x40: {  	s29 =	sadd.s32 $0x7680, s22;
	[sflag:s12] =	ssyncadd.s32 $0xFFFFF800  }
0x41: {  	[spmem:s2] =	stream.indirect.scatter.add.f32 [tilespmem:s14], [sflag:$0x3], $0x10, s29, s13, $0xb8;
	[tilespmem:$0x8800] =	vst v63  }
0x42: {  	_ =	swait.ge [sflag:s11], $0x800  }
0x43: {  	[sflag:s11] =	ssyncset.done $0x0  }
0x44: {  	s30 =	sadd.s32 $0x7800, s22;
	[sflag:s11] =	ssyncadd.s32 $0xFFFFF800  }
0x45: {  	[tilespmem:s14], [sflag:$0x1] =	stream.indirect.gather [hbm4b:s4+s13], $0x10, s30, s13, $0xb8;
	[tilespmem:$0x8800] =	vst v63  }
0x46: {  	_ =	swait.ge [sflag:s16], $0x800  }
0x47: {  	[sflag:s16] =	ssyncset.done $0x0  }
0x48: {  	s31 =	sadd.s32 $0x7780, s22;
	[sflag:s16] =	ssyncadd.s32 $0xFFFFF800  }
0x49: {  	[spmem:s2] =	stream.indirect.scatter.add.f32 [tilespmem:s15], [sflag:$0x3], $0x10, s31, s13, $0xb8;
	[tilespmem:$0x8800] =	vst v63  }
0x4a: {  	_ =	swait.ge [sflag:s11], $0x800  }
0x4b: {  	[sflag:s11] =	ssyncset.done $0x0  }
0x4c: {  	[sflag:s11] =	ssyncadd.s32 $0xFFFFF800  }
0x4d: {  	[tilespmem:s15], [sflag:$0x2] =	stream.indirect.gather [hbm4b:s4+s13], $0x10, s17, s13, $0xb8;
	[tilespmem:$0x8800] =	vst v63  }
0x4e: {  	_ =	swait.ge [sflag:s12], $0x800  }
0x4f: {  	[sflag:s12] =	ssyncset.done $0x0  }
0x50: {  	[sflag:s12] =	ssyncadd.s32 $0xFFFFF800  }
0x51: {  	[spmem:s2] =	stream.indirect.scatter.add.f32 [tilespmem:s14], [sflag:$0x3], $0x10, s18, s13, $0xb8;
	[tilespmem:$0x8800] =	vst v63  }
0x52: {  	_ =	swait.ge [sflag:s11], $0x800  }
0x53: {  	[sflag:s11] =	ssyncset.done $0x0  }
0x54: {  	[sflag:s11] =	ssyncadd.s32 $0xFFFFF800  }
0x55: {  	[tilespmem:s14], [sflag:$0x1] =	stream.indirect.gather [hbm4b:s4+s13], $0x10, s17, s13, $0xb8;
	[tilespmem:$0x8800] =	vst v63  }
0x56: {  	_ =	swait.ge [sflag:s16], $0x800  }
0x57: {  	[sflag:s16] =	ssyncset.done $0x0  }
0x58: {  	[sflag:s16] =	ssyncadd.s32 $0xFFFFF800  }
0x59: {  	[spmem:s2] =	stream.indirect.scatter.add.f32 [tilespmem:s15], [sflag:$0x3], $0x10, s19, s13, $0xb8;
	[tilespmem:$0x8800] =	vst v63  }
0x5a: {  	_ =	swait.ge [sflag:s11], $0x800  }
0x5b: {  	[sflag:s11] =	ssyncset.done $0x0  }
0x5c: {  	[sflag:s11] =	ssyncadd.s32 $0xFFFFF800  }
0x5d: {  	_ =	swait.ge [sflag:s12], $0x800  }
0x5e: {  	s21 =	sadd.s32 $0x1, s21;
	[sflag:s12] =	ssyncset.done $0x0  }
0x5f: {  	p0 =	sne.s32 s21, s8;
	[sflag:s12] =	ssyncadd.s32 $0xFFFFF800  }
.Ltmp1:
0x60: {  	[bflag:$0x0] =	sbarrier.arrive $0xFFFF;
	(pc) =	sbr.rel @p0 .LBB2_1-.Ltmp1, $4  }
0x61: {  	[hbm:s20], [sflag:s7] =	dma.local [spmem:s10], $0x500  }
0x62: {  	_ =	swait.ge [sflag:s11], $0x500  }
0x63: {  	[sflag:s11] =	ssyncset.done $0x0  }
0x64: {  	[sflag:s11] =	ssyncadd.s32 $0xFFFFFB00  }
0x65: {  	_ =	sfence.sel $0x180000  }
0x66: {  	[bflag:$0x0] =	sbarrier.arrive $0xFFFF  }
0x67: {  	p0 =	sne.s32 s0, $0x0;
	_ =	strace $0x9000004A  }
0x68: {  	s0 =	sadd.s32 @!p0 $0x100000, s1;
	[bflag:$0x2] =	sbarrier.arrive $0xFFFF  }
0x69: {  	[sflag:s0] =	ssyncadd.tile.s32 @!p0 $0x1;
	_ =	shalt  }
.Lfunc_end2:
_tile_overlayer_lowered:
.L_overlay_start_2:
0x6a: {  	(tag) =	ssettag $0x2  }
0x6b: {  	s0 =	rddreg [dreg:$0x0];
	s2 =	stileid.u32  }
0x6c: {  	s1 =	rddreg [dreg:$0x1];
	p0 =	sne.s32 s2, $0x0  }
0x6d: {  	s3 =	rddreg [dreg:$0x2];
	[bflag:$0x3] =	sbarrier.arrive $0xFFFF;
	s2 =	simm.s32 @!p0 $0x1C03  }
0x6e: {  	[timem:s3], [sflag:s2] =	dma.local @!p0 [hbm:s0], s1  }
0x6f: {  	s0 =	simm.s32 @!p0 $0x3  }
0x70: {  	_ =	swait.ge @!p0 [sflag:s0], s1  }
0x71: {  	s1 =	ssub.s32 @!p0 $0x0, s1;
	[sflag:s0] =	ssyncset.done @!p0 $0x0  }
0x72: {  	[sflag:s0] =	ssyncadd.s32 @!p0 s1  }
0x73: {  	[bflag:$0x3] =	sbarrier.arrive $0xFFFF  }
0x74: {  	_ =	shalt  }

// kernel: kernel.14.cloned.1.call-start
scs
__scs_entry_jumppad:
0x0: {  	(pc) =	sbr.rel $0x88, $3  }
0x1: {  	(tag) =	ssettag $0x0;
	lr =	simm.s32 $0x1  }
0x2: {  	[smem:$0x3F9B] =	sst lr;
	_ =	strace $0xD0000000  }
0x3: {  	_ = 	snop  }
0x4: {  	_ = 	snop  }
0x5: {  	_ = 	snop  }
0x6: {  	_ = 	snop  }
0x7: {  	_ = 	snop  }
__scs_overlays_trampoline_lowered:
0x8: {  	[smem:$0x3FAA] =	sst s0  }
0x9: {  	[smem:$0x3FAB] =	sst s1  }
0xa: {  	[smem:$0x3FAC] =	sst s2  }
0xb: {  	[smem:$0x3FAD] =	sst s3  }
0xc: {  	[smem:$0x3FAE] =	sst s4  }
0xd: {  	[smem:$0x3FAF] =	sst s5  }
0xe: {  	[smem:$0x3FB0] =	sst s6  }
0xf: {  	[smem:$0x3FB1] =	sst s7  }
0x10: {  	[smem:$0x3FB2] =	sst s8  }
0x11: {  	[smem:$0x3FB3] =	sst s9;
	s0 =	simm.s32 @!p0 $0x0  }
0x12: {  	s1 =	sld [smem:$0x3F99];
	s0 =	simm.s32 @p0 $0x1  }
0x13: {  	[smem:$0x3FB4] =	sst s0;
	s0 =	simm.s32 @!p1 $0x0  }
0x14: {  	s2 =	sld [smem:$0x3F98];
	s0 =	simm.s32 @p1 $0x1  }
0x15: {  	[smem:$0x3FB5] =	sst s0;
	s0 =	simm.s32 @!p2 $0x0  }
0x16: {  	s3 =	sld [smem:$0x3FDB];
	s0 =	simm.s32 @p2 $0x1  }
0x17: {  	s4 =	simm.s32 $0x1BF5;
	[smem:$0x3FB7] =	sst s0  }
0x18: {  	s0 =	sld [smem:$0x3F9A];
	_ =	swait.ge [sflag:s4], $0x0  }
0x19: {  	s7 =	sld [smem:$0x3F9B]  }
0x1a: {  	s8 =	sadd.s32 $0xFFFFE003, lr  }
0x1b: {  	s9 =	sadd.s32 $0xFFFFFEF7, lr;
	s5 =	simm.s32 $0xFFFFFFFF;
	p2 =	slt.u32 s8, $0xFFFFF086  }
0x1c: {  	p1 =	slt.u32 s9, $0xF7A;
	s5 =	simm.s32 @!p2 $0x0  }
0x1d: {  	s5 =	simm.s32 @p1 $0x1;
	p0 =	seq.s32 s7, s2  }
0x1e: {  	s7 =	smul.u32 @!p0 $0xF7A, s2;
	p2 =	seq.s32 @!p0 s5, $0x0  }
0x1f: {  	s9 =	smul.u32 $0xF7A, s1;
	s8 =	simm.s32 @!p0 $0x1BF5;
	p2 =	por !p2, p0  }
0x20: {  	[sflag:s8] =	ssyncset.s32 @!p0 $0xFFFFF086;
	s6 =	sadd.s32 @!p0 s3, s7;
	s7 =	simm.s32 @!p0 $0x108  }
0x21: {  	s3 =	sadd.s32 s3, s9;
	s6 =	sadd.s32 @!p0 $0x88, s6;
	s7 =	simm.s32 @p2 $0x1082  }
0x22: {  	[simem:s7], [sflag:s8] =	dma.local @!p0 [hbm:s6], $0xF7A  }
0x23: {  	s9 =	sor.u32 $0xD0000000, s2;
	s6 =	simm.s32 $0x108;
	_ =	swait.ge @!p0 [sflag:s8], $0x0  }
0x24: {  	s3 =	sadd.s32 $0x88, s3;
	s6 =	simm.s32 @!p1 $0x1082;
	[sflag:s4] =	ssyncset.s32 $0xFFFFF086  }
0x25: {  	[simem:s6], [sflag:s4] =	dma.local [hbm:s3], $0xF7A  }
0x26: {  	[smem:$0x3F9B] =	sst s1;
	(tag) =	ssettag s2;
	_ =	strace s9  }
0x27: {  	s1 =	sld [smem:$0x3FAB]  }
0x28: {  	s2 =	sld [smem:$0x3FAC]  }
0x29: {  	s4 =	sld [smem:$0x3FAE]  }
0x2a: {  	p0 =	seq.s32 s5, $0x0;
	s5 =	sld [smem:$0x3FAF]  }
0x2b: {  	s6 =	sld [smem:$0x3FB0]  }
0x2c: {  	s7 =	sld [smem:$0x3FB1]  }
0x2d: {  	s3 =	simm.s32 $0x108;
	s8 =	sld [smem:$0x3FB2]  }
0x2e: {  	s3 =	simm.s32 @!p0 $0x1082;
	s9 =	sld [smem:$0x3FB3]  }
0x2f: {  	lr =	sadd.s32 s0, s3;
	s0 =	sld [smem:$0x3FAA]  }
0x30: {  	s3 =	sld [smem:$0x3FAD]  }
0x31: {  	[smem:$0x3FB6] =	sst s10  }
0x32: {  	s10 =	sld [smem:$0x3FB4];
	_ =	sdelay $0x3  }
0x33: {  	p0 =	seq.s32 s10, $0x1;
	s10 =	sld [smem:$0x3FB6];
	_ =	sdelay $0x3  }
0x34: {  	[smem:$0x3FB6] =	sst s10  }
0x35: {  	s10 =	sld [smem:$0x3FB5];
	_ =	sdelay $0x3  }
0x36: {  	p1 =	seq.s32 s10, $0x1;
	s10 =	sld [smem:$0x3FB6];
	_ =	sdelay $0x3  }
0x37: {  	[smem:$0x3FB6] =	sst s10  }
0x38: {  	s10 =	sld [smem:$0x3FB7]  }
0x39: {  	_ = 	snop;
	(pc) =	sbr.ind lr, $3  }
0x3a: {  	_ = 	snop  }
0x3b: {  	_ = 	snop  }
0x3c: {  	p2 =	seq.s32 s10, $0x1;
	s10 =	sld [smem:$0x3FB6]  }
0x3d: {  	_ =	shalt  }
0x3e: {  	_ =	shalt  }
0x3f: {  	_ =	shalt  }
0x40: {  	_ =	shalt  }
0x41: {  	_ =	shalt  }
0x42: {  	_ =	shalt  }
0x43: {  	_ =	shalt  }
0x44: {  	_ =	shalt  }
0x45: {  	_ =	shalt  }
0x46: {  	_ =	shalt  }
0x47: {  	_ =	shalt  }
0x48: {  	_ =	shalt  }
0x49: {  	_ =	shalt  }
0x4a: {  	_ =	shalt  }
0x4b: {  	_ =	shalt  }
0x4c: {  	_ =	shalt  }
0x4d: {  	_ =	shalt  }
0x4e: {  	_ =	shalt  }
0x4f: {  	_ =	shalt  }
0x50: {  	_ =	shalt  }
0x51: {  	_ =	shalt  }
0x52: {  	_ =	shalt  }
0x53: {  	_ =	shalt  }
0x54: {  	_ =	shalt  }
0x55: {  	_ =	shalt  }
0x56: {  	_ =	shalt  }
0x57: {  	_ =	shalt  }
0x58: {  	_ =	shalt  }
0x59: {  	_ =	shalt  }
0x5a: {  	_ =	shalt  }
0x5b: {  	_ =	shalt  }
0x5c: {  	_ =	shalt  }
0x5d: {  	_ =	shalt  }
0x5e: {  	_ =	shalt  }
0x5f: {  	_ =	shalt  }
0x60: {  	_ =	shalt  }
0x61: {  	_ =	shalt  }
0x62: {  	_ =	shalt  }
0x63: {  	_ =	shalt  }
0x64: {  	_ =	shalt  }
0x65: {  	_ =	shalt  }
0x66: {  	_ =	shalt  }
0x67: {  	_ =	shalt  }
0x68: {  	_ =	shalt  }
0x69: {  	_ =	shalt  }
0x6a: {  	_ =	shalt  }
0x6b: {  	_ =	shalt  }
0x6c: {  	_ =	shalt  }
0x6d: {  	_ =	shalt  }
0x6e: {  	_ =	shalt  }
0x6f: {  	_ =	shalt  }
0x70: {  	_ =	shalt  }
0x71: {  	_ =	shalt  }
0x72: {  	_ =	shalt  }
0x73: {  	_ =	shalt  }
0x74: {  	_ =	shalt  }
0x75: {  	_ =	shalt  }
0x76: {  	_ =	shalt  }
0x77: {  	_ =	shalt  }
0x78: {  	_ =	shalt  }
0x79: {  	_ =	shalt  }
0x7a: {  	_ =	shalt  }
0x7b: {  	_ =	shalt  }
0x7c: {  	_ =	shalt  }
0x7d: {  	_ =	shalt  }
0x7e: {  	_ =	shalt  }
0x7f: {  	_ =	shalt  }
0x80: {  	_ =	shalt  }
0x81: {  	_ =	shalt  }
0x82: {  	_ =	shalt  }
0x83: {  	_ =	shalt  }
0x84: {  	_ =	shalt  }
0x85: {  	_ =	shalt  }
0x86: {  	_ =	shalt  }
0x87: {  	_ =	shalt  }
.Lfunc_end0:
.L_simem_size_0:
called_computation.2_lowered:
.L_overlay_start_0:
0x88: {  	s2 =	sld [smem:$0x3FD9]  }
0x89: {  	s3 =	sld [smem:$0x3FFE];
	_ =	sdelay $0x1  }
0x8a: {  	s1 =	srdreg.scid  }
0x8b: {  	s0 =	sand.u32 $0x1, s1  }
0x8c: {  	s16 =	sshll.u32 s0, $0xA;
	s2 =	sadd.s32 s3, s2  }
0x8d: {  	s2 =	sadd.s32 s2, s16  }
0x8e: {  	[smem:$0x3FC2] =	sst s2  }
0x8f: {  	_ = 	snop  }
0x90: {  	(tm) =	ssettm $0x1  }
0x91: {  	s17 =	sld [smem:$0x3FFB];
	_ =	sdelay $0x3  }
0x92: {  	_ =	strace s17  }
0x93: {  	s2 =	sld [smem:$0x3FFC];
	_ =	sdelay $0x3  }
0x94: {  	_ =	strace s2  }
0x95: {  	s2 =	sld [smem:$0x3FFD];
	_ =	sdelay $0x3  }
0x96: {  	_ =	strace s2  }
0x97: {  	_ =	strace $0x8FFFFFFF  }
0x98: {  	s18 =	sld [smem:$0x3FDB];
	_ =	sdelay $0x1  }
0x99: {  	s19 =	simm.s32 $_scs_section_size  }
0x9a: {  	s4 =	simm.s32 $_size__tile_overlayer_lowered;
	s5 =	simm.s32 $_tile_overlayer_lowered  }
0x9b: {  	s22 =	simm.s32 $0x1BFF;
	s21 =	sshll.u32 s5, $0x1;
	s2 =	sadd.s32 s19, s18  }
0x9c: {  	s6 =	simm.s32 $0x0;
	s20 =	sshll.u32 s4, $0x1;
	s4 =	sadd.s32 s21, s2  }
0x9d: {  	[timem:s6], [sflag:s22] =	dma.local [hbm:s4], s20  }
0x9e: {  	_ =	swait.ge [sflag:s22], s20  }
0x9f: {  	s3 =	ssub.s32 $0x0, s20;
	[sflag:s22] =	ssyncset.done $0x0  }
0xa0: {  	[sflag:s22] =	ssyncadd.s32 s3;
	_ =	sdelay $0x1  }
0xa1: {  	s23 =	simm.s32 $0x1B8B  }
0xa2: {  	_ =	swait.ge [sflag:s23], $0x1  }
0xa3: {  	[sflag:s23] =	ssyncset.done $0x0  }
0xa4: {  	s25 =	simm.s32 $0x1B8E;
	s24 =	sld [smem:$0x3FFE];
	[sflag:s23] =	ssyncadd.s32 $0xFFFFFFFF  }
0xa5: {  	s26 =	simm.s32 $execute0_lowered;
	[smem:$0x3FD2] =	sst s25  }
0xa6: {  	s4 =	sshll.u32 s26, $0x1;
	_ =	strace $0x8000004C;
	[dreg:$0x1] =	wrdreg $0xFFFFFFFF  }
0xa7: {  	s28 =	simm.s32 $_size_execute0_lowered;
	s2 =	sadd.s32 s2, s4;
	[dreg:$0x0] =	wrdreg $0x0  }
0xa8: {  	s4 =	sshll.u32 s28, $0x1;
	[dreg:$0x2] =	wrdreg s2  }
0xa9: {  	[dreg:$0x3] =	wrdreg s4  }
0xaa: {  	[dreg:$0x4] =	wrdreg $0xC0  }
0xab: {  	_ =	task [dreg:s6], $0x5FFFF  }
0xac: {  	[dreg:$0x1] =	wrdreg $0xFFFFFFFF  }
0xad: {  	[dreg:$0x0] =	wrdreg $0x60  }
0xae: {  	[dreg:$0x2] =	wrdreg s24  }
0xaf: {  	[dreg:$0x3] =	wrdreg $0x0  }
0xb0: {  	[dreg:$0x4] =	wrdreg $0x9  }
0xb1: {  	_ =	task.clear_ibuf [dreg:s6], $0x5FFFF;
	_ =	strace $0x9000004C  }
0xb2: {  	s29 =	simm.s32 $0x9;
	_ =	strace $0x8000004E  }
0xb3: {  	_ =	swait.ge [sflag:s29], $0x1  }
0xb4: {  	[sflag:s29] =	ssyncadd.s32 $0xFFFFFFFF  }
0xb5: {  	_ =	strace $0x9000004E  }
0xb6: {  	_ =	sfence  }
0xb7: {  	s30 =	sld [smem:$0x0];
	_ =	sdelay $0x2  }
0xb8: {  	s31 =	sshll.u32 s1, $0xD;
	s1 =	sshrl.u32 s1, $0x2  }
0xb9: {  	s3 =	sand.u32 $0x4000, s31;
	s1 =	sadd.s32 s1, s30  }
0xba: {  	s0 =	sor.u32 s3, s0;
	s1 =	sshll.u32 s1, $0x11  }
0xbb: {  	s0 =	sor.u32 s1, s0  }
0xbc: {  	s0 =	sadd.s32 $0x8F2B, s0  }
0xbd: {  	[sflag:s0] =	ssyncadd.remote.s32 $0x1  }
0xbe: {  	_ =	sfence.sel $0xFFFF  }
0xbf: {  	[dreg:$0x0] =	wrdreg $0xFFFFFFFF;
	(pc) =	sbr.abs _section_cstart, $3  }
0xc0: {  	[dreg:$0x1] =	wrdreg $0xFFFFFFFF  }
0xc1: {  	_ =	task.clear_ibuf [dreg:s6], $0x2FFFF;
	_ =	strace $0x9FFFFFFF  }
0xc2: {  	(tm) =	ssettm $0x7FFFFFFF  }
0xc3: {  	_ =	shalt  }
tec
execute0_lowered:
.L_overlay_start_1:
0x0: {  	(tag) =	ssettag $0x1  }
0x1: {  	s6 =	rddreg [dreg:$0x0]  }
0x2: {  	s2 =	rddreg [dreg:$0x1]  }
0x3: {  	s0 =	srdreg.scid;
	s1 =	rddreg [dreg:$0x2]  }
0x4: {  	s3 =	simm.s32 $0x0;
	s13 =	simm.s32 $0x80;
	s14 =	simm.s32 $0x6400  }
0x5: {  	s15 =	simm.s32 $0x6800;
	s16 =	simm.s32 $0x2;
	s5 =	sand.u32 $0x1, s0  }
0x6: {  	s17 =	simm.s32 $0x6300;
	s0 =	stileid.u32;
	s4 =	smul.u32 $0x50000, s5  }
0x7: {  	s18 =	simm.s32 $0x6280;
	[smem:$0x7FF] =	sst s3;
	s7 =	smul.u32 $0x5000, s0  }
0x8: {  	s19 =	simm.s32 $0x6380;
	s29 =	smul.u32 $0x1400, s0;
	_ =	strace $0x8000004D  }
0x9: {  	s9 =	smul.u32 $0x2800, s5;
	s5 =	ssub.s32 $0x2, s5;
	s31 =	sshll.u32 s0, $0x6  }
0xa: {  	s30 =	sshrl.u32 s5, $0x1;
	s4 =	sadd.s32 s7, s4;
	s20 =	sshrl.u32 s29, $0x3  }
0xb: {  	s9 =	sadd.s32 s9, s6;
	s11 =	ssub.s32 s5, s30;
	s12 =	sadd.s32 s29, s2  }
0xc: {  	s7 =	sor.u32 $0x1C03, s31;
	s4 =	sshrl.u32 s4, $0x3;
	s10 =	sadd.s32 s20, s6  }
0xd: {  	s21 =	sadd.s32 $0x1A000, s9;
	s9 =	simm.s32 $0x1400;
	s8 =	sadd.s32 s4, s6  }
0xe: {  	s4 =	sadd.s32 $0x15000, s6;
	s6 =	sadd.s32 $0x17800, s10;
	s10 =	sshrl.u32 s12, $0x3  }
0xf: {  	s12 =	simm.s32 $0x1;
	s20 =	sadd.s32 s20, s21;
	s21 =	simm.s32 $0x0  }
0x10: {  	s5 =	sadd.s32 $0x1000, s8;
	s8 =	smax.u32 s11, $0x1;
	s11 =	simm.s32 $0x3  }
.LBB2_1:
0x11: {  	[tilespmem:s9], [sflag:$0x1] =	stream.linear.gather [hbm4b:s5+s3], $0x5000, $0x38;
	[tilespmem:$0x6C00] =	vst v63  }
0x12: {  	[spmem:s10], [sflag:s7] =	dma.local [hbm:s6], $0x280  }
0x13: {  	_ =	swait.ge [sflag:s11], $0x280  }
0x14: {  	[sflag:s11] =	ssyncset.done $0x0  }
0x15: {  	[sflag:s11] =	ssyncadd.s32 $0xFFFFFD80  }
0x16: {  	_ =	swait.ge [sflag:s12], $0x5000  }
0x17: {  	[sflag:s12] =	ssyncset.done $0x0  }
0x18: {  	[sflag:s12] =	ssyncadd.s32 $0xFFFFB000  }
0x19: {  	[bflag:$0x0] =	sbarrier.arrive $0xFFFF  }
0x1a: {  	[tilespmem:s14], [sflag:$0x1] =	stream.indirect.gather [hbm4b:s4+s13], $0x8, s9, s13, $0xb8;
	[tilespmem:$0x6C00] =	vst v63  }
0x1b: {  	s22 =	simm.s32 $0x1500  }
0x1c: {  	[tilespmem:s15], [sflag:$0x2] =	stream.indirect.gather [hbm4b:s4+s13], $0x8, s22, s13, $0xb8;
	[tilespmem:$0x6C00] =	vst v63  }
0x1d: {  	_ =	swait.ge [sflag:s12], $0x400  }
0x1e: {  	[sflag:s12] =	ssyncset.done $0x0  }
0x1f: {  	s29 =	simm.s32 $0x1480;
	[sflag:s12] =	ssyncadd.s32 $0xFFFFFC00  }
0x20: {  	[spmem:s2] =	stream.indirect.scatter.add.f32 [tilespmem:s14], [sflag:$0x3], $0x8, s29, s13, $0xb8;
	[tilespmem:$0x6C00] =	vst v63  }
0x21: {  	_ =	swait.ge [sflag:s11], $0x400  }
0x22: {  	[sflag:s11] =	ssyncset.done $0x0  }
0x23: {  	s30 =	simm.s32 $0x1600;
	[sflag:s11] =	ssyncadd.s32 $0xFFFFFC00  }
0x24: {  	[tilespmem:s14], [sflag:$0x1] =	stream.indirect.gather [hbm4b:s4+s13], $0x8, s30, s13, $0xb8;
	[tilespmem:$0x6C00] =	vst v63  }
0x25: {  	_ =	swait.ge [sflag:s16], $0x400  }
0x26: {  	[sflag:s16] =	ssyncset.done $0x0  }
0x27: {  	s31 =	simm.s32 $0x1580;
	[sflag:s16] =	ssyncadd.s32 $0xFFFFFC00  }
0x28: {  	[spmem:s2] =	stream.indirect.scatter.add.f32 [tilespmem:s15], [sflag:$0x3], $0x8, s31, s13, $0xb8;
	[tilespmem:$0x6C00] =	vst v63  }
0x29: {  	_ =	swait.ge [sflag:s11], $0x400  }
0x2a: {  	s23 =	simm.s32 $0xFFFED800;
	s22 =	simm.s32 $0xFFFFB400;
	[sflag:s11] =	ssyncset.done $0x0  }
.LBB2_2:
0x2b: {  	s24 =	sadd.s32 $0x6300, s22  }
0x2c: {  	[sflag:s11] =	ssyncadd.s32 $0xFFFFFC00;
	s25 =	smov.u32 s23;
	s26 =	sadd.s32 $0x800, s23  }
0x2d: {  	[tilespmem:s15], [sflag:$0x2] =	stream.indirect.gather [hbm4b:s4+s13], $0x8, s24, s13, $0xb8;
	[tilespmem:$0x6C00] =	vst v63  }
0x2e: {  	p0 =	sne.s32 s23, $0xFFFFF800;
	_ =	swait.ge [sflag:s12], $0x400  }
0x2f: {  	[sflag:s12] =	ssyncset.done $0x0  }
0x30: {  	s23 =	sadd.s32 $0x6280, s22;
	[sflag:s12] =	ssyncadd.s32 $0xFFFFFC00  }
0x31: {  	[spmem:s2] =	stream.indirect.scatter.add.f32 [tilespmem:s14], [sflag:$0x3], $0x8, s23, s13, $0xb8;
	[tilespmem:$0x6C00] =	vst v63  }
0x32: {  	_ =	swait.ge [sflag:s11], $0x400  }
0x33: {  	[sflag:s11] =	ssyncset.done $0x0  }
0x34: {  	s23 =	sadd.s32 $0x6400, s22;
	[sflag:s11] =	ssyncadd.s32 $0xFFFFFC00  }
0x35: {  	[tilespmem:s14], [sflag:$0x1] =	stream.indirect.gather [hbm4b:s4+s13], $0x8, s23, s13, $0xb8;
	[tilespmem:$0x6C00] =	vst v63  }
0x36: {  	_ =	swait.ge [sflag:s16], $0x400  }
.Ltmp0:
0x37: {  	[sflag:s16] =	ssyncset.done $0x0;
	(pc) =	sbr.rel @p0 .LBB2_2-.Ltmp0, $4  }
0x38: {  	s22 =	sadd.s32 $0x6380, s22;
	[sflag:s16] =	ssyncadd.s32 $0xFFFFFC00  }
0x39: {  	[spmem:s2] =	stream.indirect.scatter.add.f32 [tilespmem:s15], [sflag:$0x3], $0x8, s22, s13, $0xb8;
	[tilespmem:$0x6C00] =	vst v63  }
0x3a: {  	_ =	swait.ge [sflag:s11], $0x400  }
0x3b: {  	s23 =	smov.u32 s26;
	s22 =	sshra.s32 s25, $0x2;
	[sflag:s11] =	ssyncset.done $0x0  }
0x3c: {  	s23 =	sadd.s32 $0x6300, s22;
	[sflag:s11] =	ssyncadd.s32 $0xFFFFFC00  }
0x3d: {  	[tilespmem:s15], [sflag:$0x2] =	stream.indirect.gather [hbm4b:s4+s13], $0x8, s23, s13, $0xb8;
	[tilespmem:$0x6C00] =	vst v63  }
0x3e: {  	_ =	swait.ge [sflag:s12], $0x400  }
0x3f: {  	[sflag:s12] =	ssyncset.done $0x0  }
0x40: {  	s29 =	sadd.s32 $0x6280, s22;
	[sflag:s12] =	ssyncadd.s32 $0xFFFFFC00  }
0x41: {  	[spmem:s2] =	stream.indirect.scatter.add.f32 [tilespmem:s14], [sflag:$0x3], $0x8, s29, s13, $0xb8;
	[tilespmem:$0x6C00] =	vst v63  }
0x42: {  	_ =	swait.ge [sflag:s11], $0x400  }
0x43: {  	[sflag:s11] =	ssyncset.done $0x0  }
0x44: {  	s30 =	sadd.s32 $0x6400, s22;
	[sflag:s11] =	ssyncadd.s32 $0xFFFFFC00  }
0x45: {  	[tilespmem:s14], [sflag:$0x1] =	stream.indirect.gather [hbm4b:s4+s13], $0x8, s30, s13, $0xb8;
	[tilespmem:$0x6C00] =	vst v63  }
0x46: {  	_ =	swait.ge [sflag:s16], $0x400  }
0x47: {  	[sflag:s16] =	ssyncset.done $0x0  }
0x48: {  	s31 =	sadd.s32 $0x6380, s22;
	[sflag:s16] =	ssyncadd.s32 $0xFFFFFC00  }
0x49: {  	[spmem:s2] =	stream.indirect.scatter.add.f32 [tilespmem:s15], [sflag:$0x3], $0x8, s31, s13, $0xb8;
	[tilespmem:$0x6C00] =	vst v63  }
0x4a: {  	_ =	swait.ge [sflag:s11], $0x400  }
0x4b: {  	[sflag:s11] =	ssyncset.done $0x0  }
0x4c: {  	[sflag:s11] =	ssyncadd.s32 $0xFFFFFC00  }
0x4d: {  	[tilespmem:s15], [sflag:$0x2] =	stream.indirect.gather [hbm4b:s4+s13], $0x8, s17, s13, $0xb8;
	[tilespmem:$0x6C00] =	vst v63  }
0x4e: {  	_ =	swait.ge [sflag:s12], $0x400  }
0x4f: {  	[sflag:s12] =	ssyncset.done $0x0  }
0x50: {  	[sflag:s12] =	ssyncadd.s32 $0xFFFFFC00  }
0x51: {  	[spmem:s2] =	stream.indirect.scatter.add.f32 [tilespmem:s14], [sflag:$0x3], $0x8, s18, s13, $0xb8;
	[tilespmem:$0x6C00] =	vst v63  }
0x52: {  	_ =	swait.ge [sflag:s11], $0x400  }
0x53: {  	[sflag:s11] =	ssyncset.done $0x0  }
0x54: {  	[sflag:s11] =	ssyncadd.s32 $0xFFFFFC00  }
0x55: {  	[tilespmem:s14], [sflag:$0x1] =	stream.indirect.gather [hbm4b:s4+s13], $0x8, s17, s13, $0xb8;
	[tilespmem:$0x6C00] =	vst v63  }
0x56: {  	_ =	swait.ge [sflag:s16], $0x400  }
0x57: {  	[sflag:s16] =	ssyncset.done $0x0  }
0x58: {  	[sflag:s16] =	ssyncadd.s32 $0xFFFFFC00  }
0x59: {  	[spmem:s2] =	stream.indirect.scatter.add.f32 [tilespmem:s15], [sflag:$0x3], $0x8, s19, s13, $0xb8;
	[tilespmem:$0x6C00] =	vst v63  }
0x5a: {  	_ =	swait.ge [sflag:s11], $0x400  }
0x5b: {  	[sflag:s11] =	ssyncset.done $0x0  }
0x5c: {  	[sflag:s11] =	ssyncadd.s32 $0xFFFFFC00  }
0x5d: {  	_ =	swait.ge [sflag:s12], $0x400  }
0x5e: {  	s21 =	sadd.s32 $0x1, s21;
	[sflag:s12] =	ssyncset.done $0x0  }
0x5f: {  	p0 =	sne.s32 s21, s8;
	[sflag:s12] =	ssyncadd.s32 $0xFFFFFC00  }
.Ltmp1:
0x60: {  	[bflag:$0x0] =	sbarrier.arrive $0xFFFF;
	(pc) =	sbr.rel @p0 .LBB2_1-.Ltmp1, $4  }
0x61: {  	[hbm:s20], [sflag:s7] =	dma.local [spmem:s10], $0x280  }
0x62: {  	_ =	swait.ge [sflag:s11], $0x280  }
0x63: {  	[sflag:s11] =	ssyncset.done $0x0  }
0x64: {  	[sflag:s11] =	ssyncadd.s32 $0xFFFFFD80  }
0x65: {  	_ =	sfence.sel $0x180000  }
0x66: {  	[bflag:$0x0] =	sbarrier.arrive $0xFFFF  }
0x67: {  	p0 =	sne.s32 s0, $0x0;
	_ =	strace $0x9000004D  }
0x68: {  	s0 =	sadd.s32 @!p0 $0x100000, s1;
	[bflag:$0x2] =	sbarrier.arrive $0xFFFF  }
0x69: {  	[sflag:s0] =	ssyncadd.tile.s32 @!p0 $0x1;
	_ =	shalt  }
.Lfunc_end2:
_tile_overlayer_lowered:
.L_overlay_start_2:
0x6a: {  	(tag) =	ssettag $0x2  }
0x6b: {  	s0 =	rddreg [dreg:$0x0];
	s2 =	stileid.u32  }
0x6c: {  	s1 =	rddreg [dreg:$0x1];
	p0 =	sne.s32 s2, $0x0  }
0x6d: {  	s3 =	rddreg [dreg:$0x2];
	[bflag:$0x3] =	sbarrier.arrive $0xFFFF;
	s2 =	simm.s32 @!p0 $0x1C03  }
0x6e: {  	[timem:s3], [sflag:s2] =	dma.local @!p0 [hbm:s0], s1  }
0x6f: {  	s0 =	simm.s32 @!p0 $0x3  }
0x70: {  	_ =	swait.ge @!p0 [sflag:s0], s1  }
0x71: {  	s1 =	ssub.s32 @!p0 $0x0, s1;
	[sflag:s0] =	ssyncset.done @!p0 $0x0  }
0x72: {  	[sflag:s0] =	ssyncadd.s32 @!p0 s1  }
0x73: {  	[bflag:$0x3] =	sbarrier.arrive $0xFFFF  }
0x74: {  	_ =	shalt  }

// kernel: kernel.8.cloned.1.call-start
scs
__scs_entry_jumppad:
0x0: {  	(pc) =	sbr.rel $0x88, $3  }
0x1: {  	(tag) =	ssettag $0x0;
	lr =	simm.s32 $0x1  }
0x2: {  	[smem:$0x3F9B] =	sst lr;
	_ =	strace $0xD0000000  }
0x3: {  	_ = 	snop  }
0x4: {  	_ = 	snop  }
0x5: {  	_ = 	snop  }
0x6: {  	_ = 	snop  }
0x7: {  	_ = 	snop  }
__scs_overlays_trampoline_lowered:
0x8: {  	[smem:$0x3FAA] =	sst s0  }
0x9: {  	[smem:$0x3FAB] =	sst s1  }
0xa: {  	[smem:$0x3FAC] =	sst s2  }
0xb: {  	[smem:$0x3FAD] =	sst s3  }
0xc: {  	[smem:$0x3FAE] =	sst s4  }
0xd: {  	[smem:$0x3FAF] =	sst s5  }
0xe: {  	[smem:$0x3FB0] =	sst s6  }
0xf: {  	[smem:$0x3FB1] =	sst s7  }
0x10: {  	[smem:$0x3FB2] =	sst s8  }
0x11: {  	[smem:$0x3FB3] =	sst s9;
	s0 =	simm.s32 @!p0 $0x0  }
0x12: {  	s1 =	sld [smem:$0x3F99];
	s0 =	simm.s32 @p0 $0x1  }
0x13: {  	[smem:$0x3FB4] =	sst s0;
	s0 =	simm.s32 @!p1 $0x0  }
0x14: {  	s2 =	sld [smem:$0x3F98];
	s0 =	simm.s32 @p1 $0x1  }
0x15: {  	[smem:$0x3FB5] =	sst s0;
	s0 =	simm.s32 @!p2 $0x0  }
0x16: {  	s3 =	sld [smem:$0x3FDB];
	s0 =	simm.s32 @p2 $0x1  }
0x17: {  	s4 =	simm.s32 $0x1BF5;
	[smem:$0x3FB7] =	sst s0  }
0x18: {  	s0 =	sld [smem:$0x3F9A];
	_ =	swait.ge [sflag:s4], $0x0  }
0x19: {  	s7 =	sld [smem:$0x3F9B]  }
0x1a: {  	s8 =	sadd.s32 $0xFFFFE003, lr  }
0x1b: {  	s9 =	sadd.s32 $0xFFFFFEF7, lr;
	s5 =	simm.s32 $0xFFFFFFFF;
	p2 =	slt.u32 s8, $0xFFFFF086  }
0x1c: {  	p1 =	slt.u32 s9, $0xF7A;
	s5 =	simm.s32 @!p2 $0x0  }
0x1d: {  	s5 =	simm.s32 @p1 $0x1;
	p0 =	seq.s32 s7, s2  }
0x1e: {  	s7 =	smul.u32 @!p0 $0xF7A, s2;
	p2 =	seq.s32 @!p0 s5, $0x0  }
0x1f: {  	s9 =	smul.u32 $0xF7A, s1;
	s8 =	simm.s32 @!p0 $0x1BF5;
	p2 =	por !p2, p0  }
0x20: {  	[sflag:s8] =	ssyncset.s32 @!p0 $0xFFFFF086;
	s6 =	sadd.s32 @!p0 s3, s7;
	s7 =	simm.s32 @!p0 $0x108  }
0x21: {  	s3 =	sadd.s32 s3, s9;
	s6 =	sadd.s32 @!p0 $0x88, s6;
	s7 =	simm.s32 @p2 $0x1082  }
0x22: {  	[simem:s7], [sflag:s8] =	dma.local @!p0 [hbm:s6], $0xF7A  }
0x23: {  	s9 =	sor.u32 $0xD0000000, s2;
	s6 =	simm.s32 $0x108;
	_ =	swait.ge @!p0 [sflag:s8], $0x0  }
0x24: {  	s3 =	sadd.s32 $0x88, s3;
	s6 =	simm.s32 @!p1 $0x1082;
	[sflag:s4] =	ssyncset.s32 $0xFFFFF086  }
0x25: {  	[simem:s6], [sflag:s4] =	dma.local [hbm:s3], $0xF7A  }
0x26: {  	[smem:$0x3F9B] =	sst s1;
	(tag) =	ssettag s2;
	_ =	strace s9  }
0x27: {  	s1 =	sld [smem:$0x3FAB]  }
0x28: {  	s2 =	sld [smem:$0x3FAC]  }
0x29: {  	s4 =	sld [smem:$0x3FAE]  }
0x2a: {  	p0 =	seq.s32 s5, $0x0;
	s5 =	sld [smem:$0x3FAF]  }
0x2b: {  	s6 =	sld [smem:$0x3FB0]  }
0x2c: {  	s7 =	sld [smem:$0x3FB1]  }
0x2d: {  	s3 =	simm.s32 $0x108;
	s8 =	sld [smem:$0x3FB2]  }
0x2e: {  	s3 =	simm.s32 @!p0 $0x1082;
	s9 =	sld [smem:$0x3FB3]  }
0x2f: {  	lr =	sadd.s32 s0, s3;
	s0 =	sld [smem:$0x3FAA]  }
0x30: {  	s3 =	sld [smem:$0x3FAD]  }
0x31: {  	[smem:$0x3FB6] =	sst s10  }
0x32: {  	s10 =	sld [smem:$0x3FB4];
	_ =	sdelay $0x3  }
0x33: {  	p0 =	seq.s32 s10, $0x1;
	s10 =	sld [smem:$0x3FB6];
	_ =	sdelay $0x3  }
0x34: {  	[smem:$0x3FB6] =	sst s10  }
0x35: {  	s10 =	sld [smem:$0x3FB5];
	_ =	sdelay $0x3  }
0x36: {  	p1 =	seq.s32 s10, $0x1;
	s10 =	sld [smem:$0x3FB6];
	_ =	sdelay $0x3  }
0x37: {  	[smem:$0x3FB6] =	sst s10  }
0x38: {  	s10 =	sld [smem:$0x3FB7]  }
0x39: {  	_ = 	snop;
	(pc) =	sbr.ind lr, $3  }
0x3a: {  	_ = 	snop  }
0x3b: {  	_ = 	snop  }
0x3c: {  	p2 =	seq.s32 s10, $0x1;
	s10 =	sld [smem:$0x3FB6]  }
0x3d: {  	_ =	shalt  }
0x3e: {  	_ =	shalt  }
0x3f: {  	_ =	shalt  }
0x40: {  	_ =	shalt  }
0x41: {  	_ =	shalt  }
0x42: {  	_ =	shalt  }
0x43: {  	_ =	shalt  }
0x44: {  	_ =	shalt  }
0x45: {  	_ =	shalt  }
0x46: {  	_ =	shalt  }
0x47: {  	_ =	shalt  }
0x48: {  	_ =	shalt  }
0x49: {  	_ =	shalt  }
0x4a: {  	_ =	shalt  }
0x4b: {  	_ =	shalt  }
0x4c: {  	_ =	shalt  }
0x4d: {  	_ =	shalt  }
0x4e: {  	_ =	shalt  }
0x4f: {  	_ =	shalt  }
0x50: {  	_ =	shalt  }
0x51: {  	_ =	shalt  }
0x52: {  	_ =	shalt  }
0x53: {  	_ =	shalt  }
0x54: {  	_ =	shalt  }
0x55: {  	_ =	shalt  }
0x56: {  	_ =	shalt  }
0x57: {  	_ =	shalt  }
0x58: {  	_ =	shalt  }
0x59: {  	_ =	shalt  }
0x5a: {  	_ =	shalt  }
0x5b: {  	_ =	shalt  }
0x5c: {  	_ =	shalt  }
0x5d: {  	_ =	shalt  }
0x5e: {  	_ =	shalt  }
0x5f: {  	_ =	shalt  }
0x60: {  	_ =	shalt  }
0x61: {  	_ =	shalt  }
0x62: {  	_ =	shalt  }
0x63: {  	_ =	shalt  }
0x64: {  	_ =	shalt  }
0x65: {  	_ =	shalt  }
0x66: {  	_ =	shalt  }
0x67: {  	_ =	shalt  }
0x68: {  	_ =	shalt  }
0x69: {  	_ =	shalt  }
0x6a: {  	_ =	shalt  }
0x6b: {  	_ =	shalt  }
0x6c: {  	_ =	shalt  }
0x6d: {  	_ =	shalt  }
0x6e: {  	_ =	shalt  }
0x6f: {  	_ =	shalt  }
0x70: {  	_ =	shalt  }
0x71: {  	_ =	shalt  }
0x72: {  	_ =	shalt  }
0x73: {  	_ =	shalt  }
0x74: {  	_ =	shalt  }
0x75: {  	_ =	shalt  }
0x76: {  	_ =	shalt  }
0x77: {  	_ =	shalt  }
0x78: {  	_ =	shalt  }
0x79: {  	_ =	shalt  }
0x7a: {  	_ =	shalt  }
0x7b: {  	_ =	shalt  }
0x7c: {  	_ =	shalt  }
0x7d: {  	_ =	shalt  }
0x7e: {  	_ =	shalt  }
0x7f: {  	_ =	shalt  }
0x80: {  	_ =	shalt  }
0x81: {  	_ =	shalt  }
0x82: {  	_ =	shalt  }
0x83: {  	_ =	shalt  }
0x84: {  	_ =	shalt  }
0x85: {  	_ =	shalt  }
0x86: {  	_ =	shalt  }
0x87: {  	_ =	shalt  }
.Lfunc_end0:
.L_simem_size_0:
called_computation_lowered:
.L_overlay_start_0:
0x88: {  	s2 =	sld [smem:$0x3FD9]  }
0x89: {  	s3 =	sld [smem:$0x3FFE];
	_ =	sdelay $0x1  }
0x8a: {  	s1 =	srdreg.scid  }
0x8b: {  	s0 =	sand.u32 $0x1, s1  }
0x8c: {  	s17 =	sshll.u32 s0, $0xA;
	s2 =	sadd.s32 s3, s2  }
0x8d: {  	s2 =	sadd.s32 s2, s17  }
0x8e: {  	[smem:$0x3FC2] =	sst s2  }
0x8f: {  	_ = 	snop  }
0x90: {  	s2 =	sld [smem:$0x3FD0];
	(tm) =	ssettm $0x1  }
0x91: {  	s18 =	sld [smem:$0x3FFB];
	_ =	sdelay $0x3  }
0x92: {  	_ =	strace s18  }
0x93: {  	s3 =	sld [smem:$0x3FFC];
	_ =	sdelay $0x3  }
0x94: {  	_ =	strace s3  }
0x95: {  	s3 =	sld [smem:$0x3FFD];
	_ =	sdelay $0x3  }
0x96: {  	_ =	strace s3  }
0x97: {  	_ =	strace $0x8FFFFFFF  }
0x98: {  	s19 =	sld [smem:$0x3FDB];
	_ =	sdelay $0x1  }
0x99: {  	s4 =	simm.s32 $_scs_section_size  }
0x9a: {  	s5 =	simm.s32 $_size__tile_overlayer_lowered;
	s6 =	simm.s32 $_tile_overlayer_lowered  }
0x9b: {  	s22 =	simm.s32 $0x1BFF;
	s21 =	sshll.u32 s6, $0x1;
	s3 =	sadd.s32 s4, s19  }
0x9c: {  	s7 =	simm.s32 $0x0;
	s20 =	sshll.u32 s5, $0x1;
	s5 =	sadd.s32 s21, s3  }
0x9d: {  	[timem:s7], [sflag:s22] =	dma.local [hbm:s5], s20  }
0x9e: {  	_ =	swait.ge [sflag:s22], s20  }
0x9f: {  	s4 =	ssub.s32 $0x0, s20;
	[sflag:s22] =	ssyncset.done $0x0  }
0xa0: {  	[sflag:s22] =	ssyncadd.s32 s4;
	_ =	sdelay $0x1  }
0xa1: {  	s23 =	simm.s32 $0x1B8B  }
0xa2: {  	_ =	swait.ge [sflag:s23], $0x1  }
0xa3: {  	[sflag:s23] =	ssyncset.done $0x0  }
0xa4: {  	s25 =	simm.s32 $0x1B8E;
	s24 =	sld [smem:$0x3FFE];
	[sflag:s23] =	ssyncadd.s32 $0xFFFFFFFF  }
0xa5: {  	s26 =	simm.s32 $execute0_lowered;
	[smem:$0x3FD2] =	sst s25  }
0xa6: {  	s5 =	sshll.u32 s26, $0x1;
	_ =	strace $0x80000046;
	[dreg:$0x1] =	wrdreg $0xFFFFFFFF  }
0xa7: {  	s28 =	simm.s32 $_size_execute0_lowered;
	s3 =	sadd.s32 s3, s5;
	[dreg:$0x0] =	wrdreg $0x0  }
0xa8: {  	s5 =	sshll.u32 s28, $0x1;
	[dreg:$0x2] =	wrdreg s3  }
0xa9: {  	[dreg:$0x3] =	wrdreg s5  }
0xaa: {  	[dreg:$0x4] =	wrdreg $0xC0  }
0xab: {  	_ =	task [dreg:s7], $0x5FFFF  }
0xac: {  	[dreg:$0x1] =	wrdreg $0xFFFFFFFF  }
0xad: {  	[dreg:$0x0] =	wrdreg $0x60  }
0xae: {  	[dreg:$0x2] =	wrdreg s24  }
0xaf: {  	[dreg:$0x3] =	wrdreg s2  }
0xb0: {  	[dreg:$0x4] =	wrdreg $0x0  }
0xb1: {  	[dreg:$0x5] =	wrdreg $0x9  }
0xb2: {  	_ =	task.clear_ibuf [dreg:s7], $0x6FFFF;
	_ =	strace $0x90000046  }
0xb3: {  	s29 =	simm.s32 $0x9;
	_ =	strace $0x80000048  }
0xb4: {  	_ =	swait.ge [sflag:s29], $0x1  }
0xb5: {  	[sflag:s29] =	ssyncadd.s32 $0xFFFFFFFF  }
0xb6: {  	_ =	strace $0x90000048  }
0xb7: {  	_ =	sfence  }
0xb8: {  	s30 =	sld [smem:$0x0];
	_ =	sdelay $0x2  }
0xb9: {  	s31 =	sshll.u32 s1, $0xD;
	s1 =	sshrl.u32 s1, $0x2  }
0xba: {  	s3 =	sand.u32 $0x4000, s31;
	s1 =	sadd.s32 s1, s30  }
0xbb: {  	s0 =	sor.u32 s3, s0;
	s1 =	sshll.u32 s1, $0x11  }
0xbc: {  	s0 =	sor.u32 s1, s0  }
0xbd: {  	s0 =	sadd.s32 $0x8F2B, s0  }
0xbe: {  	[sflag:s0] =	ssyncadd.remote.s32 $0x1  }
0xbf: {  	_ =	sfence.sel $0xFFFF  }
0xc0: {  	[dreg:$0x0] =	wrdreg $0xFFFFFFFF;
	(pc) =	sbr.abs _section_cstart, $3  }
0xc1: {  	[dreg:$0x1] =	wrdreg $0xFFFFFFFF  }
0xc2: {  	_ =	task.clear_ibuf [dreg:s7], $0x2FFFF;
	_ =	strace $0x9FFFFFFF  }
0xc3: {  	(tm) =	ssettm $0x7FFFFFFF  }
tec
execute0_lowered:
.L_overlay_start_1:
0x0: {  	(tag) =	ssettag $0x1  }
0x1: {  	s4 =	rddreg [dreg:$0x0]  }
0x2: {  	s5 =	rddreg [dreg:$0x1]  }
0x3: {  	s0 =	srdreg.scid;
	s1 =	stileid.u32  }
0x4: {  	s2 =	rddreg [dreg:$0x2];
	s3 =	simm.s32 $0x0;
	s8 =	smul.u32 $0x5000, s1  }
0x5: {  	s12 =	simm.s32 $0x80;
	s6 =	sand.u32 $0x1, s0;
	s10 =	smul.u32 $0x280, s1  }
0x6: {  	s13 =	simm.s32 $0x5280;
	s0 =	rddreg [dreg:$0x3];
	s7 =	smul.u32 $0x50000, s6  }
0x7: {  	[smem:$0x7FF] =	sst s3;
	s30 =	smul.u32 $0x500, s6;
	s6 =	ssub.s32 $0x2, s6  }
0x8: {  	s31 =	sshll.u32 s1, $0x6;
	_ =	strace $0x80000047;
	s9 =	sshrl.u32 s6, $0x1  }
0x9: {  	s11 =	sadd.s32 s10, s2;
	s14 =	sshrl.u32 s10, $0x3;
	s10 =	simm.s32 $0x2  }
0xa: {  	s7 =	sadd.s32 s8, s7;
	s8 =	sadd.s32 s30, s4;
	s9 =	ssub.s32 s6, s9  }
0xb: {  	s5 =	sadd.s32 s5, s14;
	s6 =	sor.u32 $0x1C02, s31;
	s7 =	sshrl.u32 s7, $0x3  }
0xc: {  	s15 =	sadd.s32 $0x15000, s8;
	s8 =	simm.s32 $0x280;
	s7 =	sadd.s32 s7, s4  }
0xd: {  	s14 =	sadd.s32 s14, s15;
	s15 =	simm.s32 $0x0;
	s4 =	sadd.s32 $0x1000, s7  }
0xe: {  	v0 =	vimm.f32 $1.000000000e+00;
	s7 =	smax.u32 s9, $0x1;
	s9 =	sshrl.u32 s11, $0x3;
	s11 =	simm.s32 $0x1  }
.LBB2_1:
0xf: {  	[tilespmem:$0x5280] =	vst v0  }
0x10: {  	[tilespmem:$0x5290] =	vst v0  }
0x11: {  	[tilespmem:$0x52A0] =	vst v0  }
0x12: {  	[tilespmem:$0x52B0] =	vst v0  }
0x13: {  	[tilespmem:$0x52C0] =	vst v0  }
0x14: {  	[tilespmem:$0x52D0] =	vst v0  }
0x15: {  	[tilespmem:$0x52E0] =	vst v0  }
0x16: {  	[tilespmem:$0x52F0] =	vst v0  }
0x17: {  	[tilespmem:s8], [sflag:$0x1] =	stream.linear.gather [hbm4b:s4+s3], $0x5000, $0x38;
	[tilespmem:$0x5300] =	vst v63  }
0x18: {  	[spmem:s9], [sflag:s6] =	dma.local [hbm:s5], $0x50  }
0x19: {  	_ =	swait.ge [sflag:s10], $0x50  }
0x1a: {  	[sflag:s10] =	ssyncset.done $0x0  }
0x1b: {  	[sflag:s10] =	ssyncadd.s32 $0xFFFFFFB0  }
0x1c: {  	_ =	swait.ge [sflag:s11], $0x5000  }
0x1d: {  	[sflag:s11] =	ssyncset.done $0x0  }
0x1e: {  	[sflag:s11] =	ssyncadd.s32 $0xFFFFB000  }
0x1f: {  	s16 =	simm.s32 $0x300;
	[bflag:$0x0] =	sbarrier.arrive $0xFFFF  }
0x20: {  	[spmem:s2] =	stream.indirect.scatter.add.f32 [tilespmem:s13], [sflag:$0x2], $0x1, s16, s12, $0xb8;
	[tilespmem:$0x5300] =	vst v63  }
0x21: {  	s16 =	simm.s32 $0x600;
	_ =	swait.ge [sflag:s10], $0x80  }
.LBB2_2:
0x22: {  	s17 =	sshra.s32 s16, $0x2;
	[sflag:s10] =	ssyncset.done $0x0;
	p0 =	sne.s32 s16, $0x13E00  }
.Ltmp0:
0x23: {  	s17 =	sadd.s32 $0x280, s17;
	[sflag:s10] =	ssyncadd.s32 $0xFFFFFF80;
	(pc) =	sbr.rel @p0 .LBB2_2-.Ltmp0, $3  }
0x24: {  	[spmem:s2] =	stream.indirect.scatter.add.f32 [tilespmem:s13], [sflag:$0x2], $0x1, s17, s12, $0xb8;
	[tilespmem:$0x5300] =	vst v63  }
0x25: {  	s16 =	sadd.s32 $0x400, s16;
	_ =	sdelay $0x1  }
0x26: {  	_ =	swait.ge [sflag:s10], $0x80  }
0x27: {  	[sflag:s10] =	ssyncset.done $0x0;
	s15 =	sadd.s32 $0x1, s15  }
0x28: {  	[sflag:s10] =	ssyncadd.s32 $0xFFFFFF80;
	p0 =	sne.s32 s15, s7  }
.Ltmp1:
0x29: {  	[bflag:$0x0] =	sbarrier.arrive $0xFFFF;
	(pc) =	sbr.rel @p0 .LBB2_1-.Ltmp1, $4  }
0x2a: {  	[hbm:s14], [sflag:s6] =	dma.local [spmem:s9], $0x50  }
0x2b: {  	_ =	swait.ge [sflag:s10], $0x50  }
0x2c: {  	[sflag:s10] =	ssyncset.done $0x0  }
0x2d: {  	[sflag:s10] =	ssyncadd.s32 $0xFFFFFFB0  }
0x2e: {  	_ =	sfence.sel $0x180000  }
0x2f: {  	[bflag:$0x0] =	sbarrier.arrive $0xFFFF  }
0x30: {  	p0 =	sne.s32 s1, $0x0;
	_ =	strace $0x90000047  }
0x31: {  	s0 =	sadd.s32 @!p0 $0x100000, s0;
	[bflag:$0x2] =	sbarrier.arrive $0xFFFF  }
0x32: {  	[sflag:s0] =	ssyncadd.tile.s32 @!p0 $0x1;
	_ =	shalt  }
.Lfunc_end2:
_tile_overlayer_lowered:
.L_overlay_start_2:
0x33: {  	(tag) =	ssettag $0x2  }
0x34: {  	s0 =	rddreg [dreg:$0x0];
	s2 =	stileid.u32  }
0x35: {  	s1 =	rddreg [dreg:$0x1];
	p0 =	sne.s32 s2, $0x0  }
0x36: {  	s3 =	rddreg [dreg:$0x2];
	[bflag:$0x3] =	sbarrier.arrive $0xFFFF;
	s2 =	simm.s32 @!p0 $0x1C02  }
0x37: {  	[timem:s3], [sflag:s2] =	dma.local @!p0 [hbm:s0], s1  }
0x38: {  	s0 =	simm.s32 @!p0 $0x2  }
0x39: {  	_ =	swait.ge @!p0 [sflag:s0], s1  }
0x3a: {  	s1 =	ssub.s32 @!p0 $0x0, s1;
	[sflag:s0] =	ssyncset.done @!p0 $0x0  }
0x3b: {  	[sflag:s0] =	ssyncadd.s32 @!p0 s1  }
0x3c: {  	[bflag:$0x3] =	sbarrier.arrive $0xFFFF  }
0x3d: {  	_ =	shalt  }

</sc_bundles>
